<compile_context>
chip_gen: v7x
topology: tpu7x:2x2x1
jax: 0.10.2.dev20260603
libtpu: 0.0.44.dev20260713+nightly
codegen_flags: <defaults>
</compile_context>

<pallas_src>
import functools

import jax
import jax.numpy as jnp
from jax import lax
from jax.experimental import pallas as pl
from jax.experimental.pallas import tpu as pltpu
from jax.experimental.pallas import tpu_sc as plsc

TILE = 128
EPAD = 128


def _router_body(S, E, P, x_ref, rw_ref, rb_ref,
                 pos_ref, tok_ref, gsc_ref, tile_e_ref, counts_ref, scal_ref):
    x = x_ref[...]
    logits = jnp.dot(x, rw_ref[...], preferred_element_type=jnp.float32)
    logits = logits + rb_ref[...]
    col = lax.broadcasted_iota(jnp.int32, (S, EPAD), 1)
    valid = col < E
    logits = jnp.where(valid, logits, jnp.float32(-1e30))

    m = jnp.max(logits, axis=1, keepdims=True)
    ex = jnp.where(valid, jnp.exp(logits - m), jnp.float32(0.0))
    se = jnp.sum(ex, axis=1, keepdims=True)
    lse = m[:, 0] + jnp.log(se[:, 0])
    probs = ex / se

    eid = jnp.min(jnp.where(logits == m, col, EPAD), axis=1)
    gate = jnp.max(probs, axis=1)

    zl = jnp.mean(lse * lse)
    p_sum = jnp.sum(probs, axis=0)

    BLK = 256
    tri = (lax.broadcasted_iota(jnp.int32, (BLK, BLK), 0) >
           lax.broadcasted_iota(jnp.int32, (BLK, BLK), 1))
    ecol_b = lax.broadcasted_iota(jnp.int32, (BLK, EPAD), 1)
    counts = jnp.zeros((EPAD,), jnp.int32)
    ranks = []
    for j in range(S // BLK):
        eb = eid[j * BLK:(j + 1) * BLK]
        eq = eb[:, None] == eb[None, :]
        local = jnp.sum(jnp.where(eq & tri, 1, 0), axis=1)
        oh = (eb[:, None] == ecol_b)
        base = jnp.sum(jnp.where(oh, counts[None, :], 0), axis=1)
        ranks.append(local + base)
        counts = counts + jnp.sum(oh.astype(jnp.int32), axis=0)
    rank = jnp.concatenate(ranks)

    pcounts = ((counts + (TILE - 1)) // TILE) * TILE
    lt = (lax.broadcasted_iota(jnp.int32, (EPAD, EPAD), 1) <
          lax.broadcasted_iota(jnp.int32, (EPAD, EPAD), 0))
    offs = jnp.sum(jnp.where(lt, pcounts[None, :], 0), axis=1)

    ecol_s = lax.broadcasted_iota(jnp.int32, (S, EPAD), 1)
    off_t = jnp.sum(jnp.where(eid[:, None] == ecol_s, offs[None, :], 0), axis=1)
    pos = off_t + rank

    ntiles = P // TILE
    trow = lax.broadcasted_iota(jnp.int32, (EPAD, ntiles), 1) * TILE
    cnt_le = jnp.sum(jnp.where(offs[:E, None] <= trow[:E, :], 1, 0), axis=0)
    tile_e = jnp.minimum(cnt_le - 1, E - 1)

    CH = 1024
    tvec = lax.broadcasted_iota(jnp.int32, (S, CH), 0)
    for c in range(P // CH):
        pcol = lax.broadcasted_iota(jnp.int32, (S, CH), 1) + c * CH
        hit = pos[:, None] == pcol
        hitcnt = jnp.sum(hit.astype(jnp.int32), axis=0)
        pad_idx = (lax.broadcasted_iota(jnp.int32, (CH,), 0) + c * CH) % S
        tok_chunk = jnp.where(hitcnt > 0,
                              jnp.sum(jnp.where(hit, tvec, 0), axis=0), pad_idx)
        gate_chunk = jnp.sum(jnp.where(hit, gate[:, None], jnp.float32(0.0)),
                             axis=0)
        r0 = c * (CH // TILE)
        for r in range(CH // TILE):
            tok_ref[r0 + r, :] = tok_chunk[r * TILE:(r + 1) * TILE]
            gsc_ref[r0 + r, :] = gate_chunk[r * TILE:(r + 1) * TILE]

    for r in range(S // TILE):
        pos_ref[r, :] = pos[r * TILE:(r + 1) * TILE]
    tile_e_ref[0, :] = jnp.where(
        lax.broadcasted_iota(jnp.int32, (EPAD,), 0) < ntiles,
        jnp.concatenate([tile_e, jnp.zeros((EPAD - ntiles,), jnp.int32)]), 0)
    counts_ref[0, :] = counts.astype(jnp.float32)
    lane = lax.broadcasted_iota(jnp.int32, (EPAD,), 0)
    f = counts.astype(jnp.float32) / jnp.float32(S)
    lb = jnp.float32(E) * jnp.sum(p_sum / jnp.float32(S) * f)
    scal_ref[0, :] = (jnp.where(lane == 0, zl, jnp.float32(0.0)) +
                      jnp.where(lane == 1, lb, jnp.float32(0.0)))


def _make_sc_gather(n_out, d, chunk, dtype):
    mesh = plsc.VectorSubcoreMesh(core_axis_name="c", subcore_axis_name="s")
    nw = 32
    per_w = n_out // nw
    assert per_w % chunk == 0

    def body(table_hbm, idx_hbm, out_hbm, idx_v, rows_v, sem):
        wid = lax.axis_index("s") * 2 + lax.axis_index("c")
        for cch in range(per_w // chunk):
            base = wid * per_w + cch * chunk
            pltpu.sync_copy(idx_hbm.at[pl.ds(base, chunk)], idx_v)
            pltpu.async_copy(table_hbm.at[idx_v], rows_v, sem).wait()
            pltpu.sync_copy(rows_v, out_hbm.at[pl.ds(base, chunk)])

    return pl.kernel(
        body,
        out_type=jax.ShapeDtypeStruct((n_out, d), dtype),
        mesh=mesh,
        scratch_types=[
            pltpu.VMEM((chunk,), jnp.int32),
            pltpu.VMEM((chunk, d), dtype),
            pltpu.SemaphoreType.DMA,
        ],
    )


def _moe_body(tile_e_ref, xs_ref, upw_ref, gw_ref, dww_ref,
              upb_ref, gb_ref, db_ref, gs_ref, y_ref):
    x = xs_ref[...]
    u = jnp.dot(x, upw_ref[0], preferred_element_type=jnp.float32) + upb_ref[0, 0]
    g = jnp.dot(x, gw_ref[0], preferred_element_type=jnp.float32) + gb_ref[0, 0]
    h = (u * jax.nn.sigmoid(u)) * g
    y = jnp.dot(h, dww_ref[0], preferred_element_type=jnp.float32) + db_ref[0, 0]
    y_ref[...] = y * gs_ref[0, 0][:, None]


def kernel(x, router_W, router_b, up_W, up_b, gate_W, gate_b, down_W, down_b):
    bs, sl, dm = x.shape
    S = bs * sl
    E, _, dff = up_W.shape
    P = 2 * S
    ntiles = P // TILE

    x2d = x.reshape(S, dm)
    rw_p = jnp.pad(router_W, ((0, 0), (0, EPAD - E)))
    rb_p = jnp.pad(router_b, (0, EPAD - E)).reshape(1, EPAD)

    pos2d, tok2d, gsc2d, tile_e2d, counts2d, scal2d = pl.pallas_call(
        functools.partial(_router_body, S, E, P),
        out_shape=(
            jax.ShapeDtypeStruct((S // TILE, TILE), jnp.int32),
            jax.ShapeDtypeStruct((P // TILE, TILE), jnp.int32),
            jax.ShapeDtypeStruct((P // TILE, TILE), jnp.float32),
            jax.ShapeDtypeStruct((1, EPAD), jnp.int32),
            jax.ShapeDtypeStruct((1, EPAD), jnp.float32),
            jax.ShapeDtypeStruct((1, EPAD), jnp.float32),
        ),
        compiler_params=pltpu.CompilerParams(
            vmem_limit_bytes=100 * 1024 * 1024),
    )(x2d, rw_p, rb_p)

    tok_at = tok2d.reshape(P)
    pos = pos2d.reshape(S)
    tile_e = tile_e2d[0, :ntiles]

    x_s = _make_sc_gather(P, dm, 64, jnp.float32)(x2d, tok_at)

    grid_spec = pltpu.PrefetchScalarGridSpec(
        num_scalar_prefetch=1,
        grid=(ntiles,),
        in_specs=[
            pl.BlockSpec((TILE, dm), lambda t, te: (t, 0)),
            pl.BlockSpec((1, dm, dff), lambda t, te: (te[t], 0, 0)),
            pl.BlockSpec((1, dm, dff), lambda t, te: (te[t], 0, 0)),
            pl.BlockSpec((1, dff, dm), lambda t, te: (te[t], 0, 0)),
            pl.BlockSpec((1, 1, dff), lambda t, te: (te[t], 0, 0)),
            pl.BlockSpec((1, 1, dff), lambda t, te: (te[t], 0, 0)),
            pl.BlockSpec((1, 1, dm), lambda t, te: (te[t], 0, 0)),
            pl.BlockSpec((1, 1, TILE), lambda t, te: (t, 0, 0)),
        ],
        out_specs=pl.BlockSpec((TILE, dm), lambda t, te: (t, 0)),
    )
    y_s = pl.pallas_call(
        _moe_body,
        grid_spec=grid_spec,
        out_shape=jax.ShapeDtypeStruct((P, dm), jnp.float32),
        compiler_params=pltpu.CompilerParams(
            vmem_limit_bytes=127 * 1024 * 1024),
    )(tile_e, x_s, up_W, gate_W, down_W,
      up_b.reshape(E, 1, dff), gate_b.reshape(E, 1, dff),
      down_b.reshape(E, 1, dm), gsc2d.reshape(ntiles, 1, TILE))

    out2d = _make_sc_gather(S, dm, 64, jnp.float32)(y_s, pos)

    output = out2d.reshape(bs, sl, dm)
    tokens_per_expert = counts2d[0, :E] / jnp.float32(S)
    z_loss = scal2d[0, 0]
    lb_loss = scal2d[0, 1]
    return (output, tokens_per_expert, z_loss, 0.001 * z_loss,
            lb_loss, 0.1 * lb_loss)

# --- scband reference (transcript-rebuilt; emitter-appended) ---
"""Pipeline reference for scband-moe-9371618639913 (READ-ONLY COPY).

The authoritative reference and input builder live on the scoring server;
editing this copy changes nothing except your own understanding.
"""

import jax, jax.numpy as jnp
import numpy as np

B, S, D_MODEL, D_FF, E, TOP_K = 1, 2048, 1024, 2048, 16, 1
Z_COEF, LB_COEF = 0.001, 0.1


def silu(x):
    return x * jax.nn.sigmoid(x)


def setup_inputs(seed: int = 0) -> dict:
    key = jax.random.key(seed)
    ks = jax.random.split(key, 6)
    x = jax.random.normal(ks[0], (B, S, D_MODEL), dtype=jnp.float32)
    router_W = jax.random.normal(ks[1], (D_MODEL, E), dtype=jnp.float32) * 0.02
    router_b = jnp.zeros((E,), dtype=jnp.float32)
    up_W = jax.random.normal(ks[2], (E, D_MODEL, D_FF), dtype=jnp.float32) * 0.02
    up_b = jnp.zeros((E, D_FF), dtype=jnp.float32)
    gate_W = jax.random.normal(ks[3], (E, D_MODEL, D_FF), dtype=jnp.float32) * 0.02
    gate_b = jnp.zeros((E, D_FF), dtype=jnp.float32)
    down_W = jax.random.normal(ks[4], (E, D_FF, D_MODEL), dtype=jnp.float32) * 0.02
    down_b = jnp.zeros((E, D_MODEL), dtype=jnp.float32)
    return {"x": x, "router_W": router_W, "router_b": router_b,
            "up_W": up_W, "up_b": up_b, "gate_W": gate_W, "gate_b": gate_b,
            "down_W": down_W, "down_b": down_b}


def reference(x, router_W, router_b, up_W, up_b, gate_W, gate_b, down_W, down_b):
    bs, sl, dm = x.shape
    logits = x @ router_W + router_b  # [B, S, E]
    z_loss = jnp.mean(jax.nn.logsumexp(logits, axis=-1) ** 2)
    router_probs = jax.nn.softmax(logits, axis=-1)
    topk_logits, topk_indices = jax.lax.top_k(logits, TOP_K)  # [B, S, K]
    # top_k == 1 branch: gates are softmax probs gathered at the argmax expert
    topk_gates = jnp.take_along_axis(router_probs, topk_indices, axis=-1)
    # load-balance loss
    p = router_probs.mean(axis=(0, 1))
    dispatch = jax.nn.one_hot(topk_indices, E, dtype=router_probs.dtype)  # [B,S,K,E]
    f = dispatch.mean(axis=(0, 1, 2))
    lb_loss = E * jnp.sum(p * f)

    x_flat = x.reshape(bs * sl, dm)
    out_flat = jnp.zeros_like(x_flat)
    expert_ids = topk_indices.reshape(bs * sl)
    expert_gates = topk_gates.reshape(bs * sl)
    for e in range(E):
        mask = (expert_ids == e)
        h = silu(x_flat @ up_W[e] + up_b[e]) * (x_flat @ gate_W[e] + gate_b[e])
        y_e = h @ down_W[e] + down_b[e]
        y_e = y_e * expert_gates[:, None]
        out_flat = out_flat + jnp.where(mask[:, None], y_e, jnp.zeros_like(y_e))
    counts = jnp.bincount(expert_ids, minlength=E, length=E).astype(x.dtype)
    tokens_per_expert = counts / (bs * sl)
    output = out_flat.reshape(bs, sl, dm)
    return (output, tokens_per_expert, z_loss, z_loss * Z_COEF, lb_loss, lb_loss * LB_COEF)

if __name__ == "__main__":
    import jax
    _d = setup_inputs()
    print(jax.jit(kernel)(*tuple(_d.values())))

</pallas_src>

<mosaic_0001>
#map = affine_map<(d0, d1) -> (0, 0)>
#map1 = affine_map<(d0, d1) -> (0)>
module attributes {stable_mosaic.version = 14 : i64} {
  func.func @body(%arg0: i32, %arg1: i32, %arg2: memref<4096x1024xf32, #tpu.memory_space<hbm>>, %arg3: memref<2048xi32, #tpu.memory_space<hbm>>, %arg4: memref<2048x1024xf32, #tpu.memory_space<hbm>>, %arg5: memref<64xi32, #tpu.memory_space<vmem>>, %arg6: memref<64x1024xf32, #tpu.memory_space<vmem>>, %arg7: memref<!tpu.dma_semaphore, #tpu.memory_space<semaphore_mem>>) attributes {dimension_semantics = [#tpu.dimension_semantics<core_parallel>, #tpu.dimension_semantics<subcore_parallel>], iteration_bounds = array<i64: 2, 16>, scalar_prefetch = 0 : i64, scratch_operands = 3 : i64, tpu.core_type = #tpu.core_type<sc_vector_subcore>, window_params = [{transform_indices = #map}, {transform_indices = #map1}, {transform_indices = #map}]} {
    %mul3A = arith.constant 2 : i32
    %mul3A_0 = arith.muli %arg1, %mul3A : i32
    %add3A = arith.addi %mul3A_0, %arg0 : i32
    %mul3A_1 = arith.constant 64 : i32
    %mul3A_2 = arith.muli %add3A, %mul3A_1 : i32
    %add3A_3 = arith.constant 0 : i32
    %add3A_4 = arith.addi %mul3A_2, %add3A_3 : i32
    "tpu.region"() ({
      %run_scoped3A = tpu.sem_alloc : memref<!tpu.dma_semaphore, #tpu.memory_space<semaphore_mem>>
      %dma_start3A_9 = tpu.memref_slice %arg3[%add3A_4] : memref<2048xi32, #tpu.memory_space<hbm>> -> memref<64xi32, #tpu.memory_space<hbm>>
      %dma_start3A_10 = tpu.memref_slice %arg3[%add3A_4] : memref<2048xi32, #tpu.memory_space<hbm>> -> memref<64xi32, #tpu.memory_space<hbm>>
      tpu.enqueue_dma source(%dma_start3A_10 : memref<64xi32, #tpu.memory_space<hbm>>) target(%arg5 : memref<64xi32, #tpu.memory_space<vmem>>) target_semaphore(%run_scoped3A : memref<!tpu.dma_semaphore, #tpu.memory_space<semaphore_mem>>)
      %dma_wait3A_11 = tpu.memref_slice %arg3[%add3A_4] : memref<2048xi32, #tpu.memory_space<hbm>> -> memref<64xi32, #tpu.memory_space<hbm>>
      %dma_wait3A_12 = tpu.memref_slice %arg3[%add3A_4] : memref<2048xi32, #tpu.memory_space<hbm>> -> memref<64xi32, #tpu.memory_space<hbm>>
      tpu.wait_dma2 semaphore(%run_scoped3A : memref<!tpu.dma_semaphore, #tpu.memory_space<semaphore_mem>>) src(%dma_wait3A_12 : memref<64xi32, #tpu.memory_space<hbm>>) dst(%arg5 : memref<64xi32, #tpu.memory_space<vmem>>)
      tpu.yield
    }) : () -> ()
    %dma_start3A = arith.constant 0 : i32
    %dma_start3A_5 = arith.constant 0 : i32
    %dma_start3A_6 = tpu.memref_slice %arg2[%dma_start3A, %dma_start3A_5] : memref<4096x1024xf32, #tpu.memory_space<hbm>> -> memref<4096x1024xf32, #tpu.memory_space<hbm>>
    tpu.enqueue_indirect_dma source(%dma_start3A_6 : memref<4096x1024xf32, #tpu.memory_space<hbm>>) target(%arg6 : memref<64x1024xf32, #tpu.memory_space<vmem>>) offsets(%arg5 : memref<64xi32, #tpu.memory_space<vmem>>) semaphore(%arg7 : memref<!tpu.dma_semaphore, #tpu.memory_space<semaphore_mem>>)
    %dma_wait3A = arith.constant 0 : i32
    %dma_wait3A_7 = arith.constant 0 : i32
    %dma_wait3A_8 = tpu.memref_slice %arg2[%dma_wait3A, %dma_wait3A_7] : memref<4096x1024xf32, #tpu.memory_space<hbm>> -> memref<4096x1024xf32, #tpu.memory_space<hbm>>
    tpu.wait_indirect_dma semaphore(%arg7 : memref<!tpu.dma_semaphore, #tpu.memory_space<semaphore_mem>>) src(%dma_wait3A_8 : memref<4096x1024xf32, #tpu.memory_space<hbm>>) dst(%arg6 : memref<64x1024xf32, #tpu.memory_space<vmem>>)
    "tpu.region"() ({
      %run_scoped3A = tpu.sem_alloc : memref<!tpu.dma_semaphore, #tpu.memory_space<semaphore_mem>>
      %dma_start3A_9 = arith.constant 0 : i32
      %dma_start3A_10 = tpu.memref_slice %arg4[%add3A_4, %dma_start3A_9] : memref<2048x1024xf32, #tpu.memory_space<hbm>> -> memref<64x1024xf32, #tpu.memory_space<hbm>>
      %dma_start3A_11 = arith.constant 0 : i32
      %dma_start3A_12 = tpu.memref_slice %arg4[%add3A_4, %dma_start3A_11] : memref<2048x1024xf32, #tpu.memory_space<hbm>> -> memref<64x1024xf32, #tpu.memory_space<hbm>>
      tpu.enqueue_dma source(%arg6 : memref<64x1024xf32, #tpu.memory_space<vmem>>) target(%dma_start3A_12 : memref<64x1024xf32, #tpu.memory_space<hbm>>) target_semaphore(%run_scoped3A : memref<!tpu.dma_semaphore, #tpu.memory_space<semaphore_mem>>)
      %dma_wait3A_13 = arith.constant 0 : i32
      %dma_wait3A_14 = tpu.memref_slice %arg4[%add3A_4, %dma_wait3A_13] : memref<2048x1024xf32, #tpu.memory_space<hbm>> -> memref<64x1024xf32, #tpu.memory_space<hbm>>
      %dma_wait3A_15 = arith.constant 0 : i32
      %dma_wait3A_16 = tpu.memref_slice %arg4[%add3A_4, %dma_wait3A_15] : memref<2048x1024xf32, #tpu.memory_space<hbm>> -> memref<64x1024xf32, #tpu.memory_space<hbm>>
      tpu.wait_dma2 semaphore(%run_scoped3A : memref<!tpu.dma_semaphore, #tpu.memory_space<semaphore_mem>>) src(%arg6 : memref<64x1024xf32, #tpu.memory_space<vmem>>) dst(%dma_wait3A_16 : memref<64x1024xf32, #tpu.memory_space<hbm>>)
      tpu.yield
    }) : () -> ()
    return
  }
}

#map = affine_map<(d0, d1) -> (0, 0)>
#map1 = affine_map<(d0, d1) -> (0)>
module attributes {stable_mosaic.version = 14 : i64} {
  func.func @body(%arg0: i32, %arg1: i32, %arg2: memref<2048x1024xf32, #tpu.memory_space<hbm>>, %arg3: memref<4096xi32, #tpu.memory_space<hbm>>, %arg4: memref<4096x1024xf32, #tpu.memory_space<hbm>>, %arg5: memref<64xi32, #tpu.memory_space<vmem>>, %arg6: memref<64x1024xf32, #tpu.memory_space<vmem>>, %arg7: memref<!tpu.dma_semaphore, #tpu.memory_space<semaphore_mem>>) attributes {dimension_semantics = [#tpu.dimension_semantics<core_parallel>, #tpu.dimension_semantics<subcore_parallel>], iteration_bounds = array<i64: 2, 16>, scalar_prefetch = 0 : i64, scratch_operands = 3 : i64, tpu.core_type = #tpu.core_type<sc_vector_subcore>, window_params = [{transform_indices = #map}, {transform_indices = #map1}, {transform_indices = #map}]} {
    %mul3A = arith.constant 2 : i32
    %mul3A_0 = arith.muli %arg1, %mul3A : i32
    %add3A = arith.addi %mul3A_0, %arg0 : i32
    %mul3A_1 = arith.constant 128 : i32
    %mul3A_2 = arith.muli %add3A, %mul3A_1 : i32
    %add3A_3 = arith.constant 0 : i32
    %add3A_4 = arith.addi %mul3A_2, %add3A_3 : i32
    "tpu.region"() ({
      %run_scoped3A = tpu.sem_alloc : memref<!tpu.dma_semaphore, #tpu.memory_space<semaphore_mem>>
      %dma_start3A_19 = tpu.memref_slice %arg3[%add3A_4] : memref<4096xi32, #tpu.memory_space<hbm>> -> memref<64xi32, #tpu.memory_space<hbm>>
      %dma_start3A_20 = tpu.memref_slice %arg3[%add3A_4] : memref<4096xi32, #tpu.memory_space<hbm>> -> memref<64xi32, #tpu.memory_space<hbm>>
      tpu.enqueue_dma source(%dma_start3A_20 : memref<64xi32, #tpu.memory_space<hbm>>) target(%arg5 : memref<64xi32, #tpu.memory_space<vmem>>) target_semaphore(%run_scoped3A : memref<!tpu.dma_semaphore, #tpu.memory_space<semaphore_mem>>)
      %dma_wait3A_21 = tpu.memref_slice %arg3[%add3A_4] : memref<4096xi32, #tpu.memory_space<hbm>> -> memref<64xi32, #tpu.memory_space<hbm>>
      %dma_wait3A_22 = tpu.memref_slice %arg3[%add3A_4] : memref<4096xi32, #tpu.memory_space<hbm>> -> memref<64xi32, #tpu.memory_space<hbm>>
      tpu.wait_dma2 semaphore(%run_scoped3A : memref<!tpu.dma_semaphore, #tpu.memory_space<semaphore_mem>>) src(%dma_wait3A_22 : memref<64xi32, #tpu.memory_space<hbm>>) dst(%arg5 : memref<64xi32, #tpu.memory_space<vmem>>)
      tpu.yield
    }) : () -> ()
    %dma_start3A = arith.constant 0 : i32
    %dma_start3A_5 = arith.constant 0 : i32
    %dma_start3A_6 = tpu.memref_slice %arg2[%dma_start3A, %dma_start3A_5] : memref<2048x1024xf32, #tpu.memory_space<hbm>> -> memref<2048x1024xf32, #tpu.memory_space<hbm>>
    tpu.enqueue_indirect_dma source(%dma_start3A_6 : memref<2048x1024xf32, #tpu.memory_space<hbm>>) target(%arg6 : memref<64x1024xf32, #tpu.memory_space<vmem>>) offsets(%arg5 : memref<64xi32, #tpu.memory_space<vmem>>) semaphore(%arg7 : memref<!tpu.dma_semaphore, #tpu.memory_space<semaphore_mem>>)
    %dma_wait3A = arith.constant 0 : i32
    %dma_wait3A_7 = arith.constant 0 : i32
    %dma_wait3A_8 = tpu.memref_slice %arg2[%dma_wait3A, %dma_wait3A_7] : memref<2048x1024xf32, #tpu.memory_space<hbm>> -> memref<2048x1024xf32, #tpu.memory_space<hbm>>
    tpu.wait_indirect_dma semaphore(%arg7 : memref<!tpu.dma_semaphore, #tpu.memory_space<semaphore_mem>>) src(%dma_wait3A_8 : memref<2048x1024xf32, #tpu.memory_space<hbm>>) dst(%arg6 : memref<64x1024xf32, #tpu.memory_space<vmem>>)
    "tpu.region"() ({
      %run_scoped3A = tpu.sem_alloc : memref<!tpu.dma_semaphore, #tpu.memory_space<semaphore_mem>>
      %dma_start3A_19 = arith.constant 0 : i32
      %dma_start3A_20 = tpu.memref_slice %arg4[%add3A_4, %dma_start3A_19] : memref<4096x1024xf32, #tpu.memory_space<hbm>> -> memref<64x1024xf32, #tpu.memory_space<hbm>>
      %dma_start3A_21 = arith.constant 0 : i32
      %dma_start3A_22 = tpu.memref_slice %arg4[%add3A_4, %dma_start3A_21] : memref<4096x1024xf32, #tpu.memory_space<hbm>> -> memref<64x1024xf32, #tpu.memory_space<hbm>>
      tpu.enqueue_dma source(%arg6 : memref<64x1024xf32, #tpu.memory_space<vmem>>) target(%dma_start3A_22 : memref<64x1024xf32, #tpu.memory_space<hbm>>) target_semaphore(%run_scoped3A : memref<!tpu.dma_semaphore, #tpu.memory_space<semaphore_mem>>)
      %dma_wait3A_23 = arith.constant 0 : i32
      %dma_wait3A_24 = tpu.memref_slice %arg4[%add3A_4, %dma_wait3A_23] : memref<4096x1024xf32, #tpu.memory_space<hbm>> -> memref<64x1024xf32, #tpu.memory_space<hbm>>
      %dma_wait3A_25 = arith.constant 0 : i32
      %dma_wait3A_26 = tpu.memref_slice %arg4[%add3A_4, %dma_wait3A_25] : memref<4096x1024xf32, #tpu.memory_space<hbm>> -> memref<64x1024xf32, #tpu.memory_space<hbm>>
      tpu.wait_dma2 semaphore(%run_scoped3A : memref<!tpu.dma_semaphore, #tpu.memory_space<semaphore_mem>>) src(%arg6 : memref<64x1024xf32, #tpu.memory_space<vmem>>) dst(%dma_wait3A_26 : memref<64x1024xf32, #tpu.memory_space<hbm>>)
      tpu.yield
    }) : () -> ()
    %mul3A_9 = arith.constant 128 : i32
    %mul3A_10 = arith.muli %add3A, %mul3A_9 : i32
    %add3A_11 = arith.constant 64 : i32
    %add3A_12 = arith.addi %mul3A_10, %add3A_11 : i32
    "tpu.region"() ({
      %run_scoped3A = tpu.sem_alloc : memref<!tpu.dma_semaphore, #tpu.memory_space<semaphore_mem>>
      %dma_start3A_19 = tpu.memref_slice %arg3[%add3A_12] : memref<4096xi32, #tpu.memory_space<hbm>> -> memref<64xi32, #tpu.memory_space<hbm>>
      %dma_start3A_20 = tpu.memref_slice %arg3[%add3A_12] : memref<4096xi32, #tpu.memory_space<hbm>> -> memref<64xi32, #tpu.memory_space<hbm>>
      tpu.enqueue_dma source(%dma_start3A_20 : memref<64xi32, #tpu.memory_space<hbm>>) target(%arg5 : memref<64xi32, #tpu.memory_space<vmem>>) target_semaphore(%run_scoped3A : memref<!tpu.dma_semaphore, #tpu.memory_space<semaphore_mem>>)
      %dma_wait3A_21 = tpu.memref_slice %arg3[%add3A_12] : memref<4096xi32, #tpu.memory_space<hbm>> -> memref<64xi32, #tpu.memory_space<hbm>>
      %dma_wait3A_22 = tpu.memref_slice %arg3[%add3A_12] : memref<4096xi32, #tpu.memory_space<hbm>> -> memref<64xi32, #tpu.memory_space<hbm>>
      tpu.wait_dma2 semaphore(%run_scoped3A : memref<!tpu.dma_semaphore, #tpu.memory_space<semaphore_mem>>) src(%dma_wait3A_22 : memref<64xi32, #tpu.memory_space<hbm>>) dst(%arg5 : memref<64xi32, #tpu.memory_space<vmem>>)
      tpu.yield
    }) : () -> ()
    %dma_start3A_13 = arith.constant 0 : i32
    %dma_start3A_14 = arith.constant 0 : i32
    %dma_start3A_15 = tpu.memref_slice %arg2[%dma_start3A_13, %dma_start3A_14] : memref<2048x1024xf32, #tpu.memory_space<hbm>> -> memref<2048x1024xf32, #tpu.memory_space<hbm>>
    tpu.enqueue_indirect_dma source(%dma_start3A_15 : memref<2048x1024xf32, #tpu.memory_space<hbm>>) target(%arg6 : memref<64x1024xf32, #tpu.memory_space<vmem>>) offsets(%arg5 : memref<64xi32, #tpu.memory_space<vmem>>) semaphore(%arg7 : memref<!tpu.dma_semaphore, #tpu.memory_space<semaphore_mem>>)
    %dma_wait3A_16 = arith.constant 0 : i32
    %dma_wait3A_17 = arith.constant 0 : i32
    %dma_wait3A_18 = tpu.memref_slice %arg2[%dma_wait3A_16, %dma_wait3A_17] : memref<2048x1024xf32, #tpu.memory_space<hbm>> -> memref<2048x1024xf32, #tpu.memory_space<hbm>>
    tpu.wait_indirect_dma semaphore(%arg7 : memref<!tpu.dma_semaphore, #tpu.memory_space<semaphore_mem>>) src(%dma_wait3A_18 : memref<2048x1024xf32, #tpu.memory_space<hbm>>) dst(%arg6 : memref<64x1024xf32, #tpu.memory_space<vmem>>)
    "tpu.region"() ({
      %run_scoped3A = tpu.sem_alloc : memref<!tpu.dma_semaphore, #tpu.memory_space<semaphore_mem>>
      %dma_start3A_19 = arith.constant 0 : i32
      %dma_start3A_20 = tpu.memref_slice %arg4[%add3A_12, %dma_start3A_19] : memref<4096x1024xf32, #tpu.memory_space<hbm>> -> memref<64x1024xf32, #tpu.memory_space<hbm>>
      %dma_start3A_21 = arith.constant 0 : i32
      %dma_start3A_22 = tpu.memref_slice %arg4[%add3A_12, %dma_start3A_21] : memref<4096x1024xf32, #tpu.memory_space<hbm>> -> memref<64x1024xf32, #tpu.memory_space<hbm>>
      tpu.enqueue_dma source(%arg6 : memref<64x1024xf32, #tpu.memory_space<vmem>>) target(%dma_start3A_22 : memref<64x1024xf32, #tpu.memory_space<hbm>>) target_semaphore(%run_scoped3A : memref<!tpu.dma_semaphore, #tpu.memory_space<semaphore_mem>>)
      %dma_wait3A_23 = arith.constant 0 : i32
      %dma_wait3A_24 = tpu.memref_slice %arg4[%add3A_12, %dma_wait3A_23] : memref<4096x1024xf32, #tpu.memory_space<hbm>> -> memref<64x1024xf32, #tpu.memory_space<hbm>>
      %dma_wait3A_25 = arith.constant 0 : i32
      %dma_wait3A_26 = tpu.memref_slice %arg4[%add3A_12, %dma_wait3A_25] : memref<4096x1024xf32, #tpu.memory_space<hbm>> -> memref<64x1024xf32, #tpu.memory_space<hbm>>
      tpu.wait_dma2 semaphore(%run_scoped3A : memref<!tpu.dma_semaphore, #tpu.memory_space<semaphore_mem>>) src(%arg6 : memref<64x1024xf32, #tpu.memory_space<vmem>>) dst(%dma_wait3A_26 : memref<64x1024xf32, #tpu.memory_space<hbm>>)
      tpu.yield
    }) : () -> ()
    return
  }
}

module attributes {stable_mosaic.version = 14 : i64} {
  func.func @_moe_body(%arg0: i32, %arg1: memref<32xi32, #tpu.memory_space<smem>>, %arg2: memref<128x1024xf32, #tpu.memory_space<vmem>>, %arg3: memref<1x1024x2048xf32, #tpu.memory_space<vmem>>, %arg4: memref<1x1024x2048xf32, #tpu.memory_space<vmem>>, %arg5: memref<1x2048x1024xf32, #tpu.memory_space<vmem>>, %arg6: memref<1x1x2048xf32, #tpu.memory_space<vmem>>, %arg7: memref<1x1x2048xf32, #tpu.memory_space<vmem>>, %arg8: memref<1x1x1024xf32, #tpu.memory_space<vmem>>, %arg9: memref<1x1x128xf32, #tpu.memory_space<vmem>>, %arg10: memref<128x1024xf32, #tpu.memory_space<vmem>>) attributes {dimension_semantics = [#tpu.dimension_semantics<arbitrary>], iteration_bounds = array<i64: 32>, scalar_prefetch = 1 : i64, scratch_operands = 0 : i64, tpu.core_type = #tpu.core_type<tc>, window_params = [{transform_indices = @transform_0, window_bounds = array<i64: 128, 1024>}, {transform_indices = @transform_1, window_bounds = array<i64: 1, 1024, 2048>}, {transform_indices = @transform_2, window_bounds = array<i64: 1, 1024, 2048>}, {transform_indices = @transform_3, window_bounds = array<i64: 1, 2048, 1024>}, {transform_indices = @transform_4, window_bounds = array<i64: 1, 1, 2048>}, {transform_indices = @transform_5, window_bounds = array<i64: 1, 1, 2048>}, {transform_indices = @transform_6, window_bounds = array<i64: 1, 1, 1024>}, {transform_indices = @transform_7, window_bounds = array<i64: 1, 1, 128>}, {transform_indices = @transform_8, window_bounds = array<i64: 128, 1024>}]} {
    %get3A = arith.constant 0 : index
    %get3A_0 = arith.constant 0 : index
    %get3A_1 = vector.load %arg2[%get3A, %get3A_0] : memref<128x1024xf32, #tpu.memory_space<vmem>>, vector<128x1024xf32>
    %get3A_2 = arith.constant 0 : index
    %get3A_3 = arith.constant 0 : index
    %get3A_4 = arith.constant 0 : index
    %get3A_5 = vector.load %arg3[%get3A_2, %get3A_3, %get3A_4] : memref<1x1024x2048xf32, #tpu.memory_space<vmem>>, vector<1x1024x2048xf32>
    %get3A_6 = vector.shape_cast %get3A_5 : vector<1x1024x2048xf32> to vector<1024x2048xf32>
    %dot_general3A = arith.constant dense<0.000000e+00> : vector<128x2048xf32>
    %dot_general3A_7 = tpu.matmul %get3A_1, %get3A_6, %dot_general3A {dimension_numbers = #tpu.dot_dimension_numbers<[1], [0], [0], [1], [0, 0, 1, 1], [], []>, transpose_lhs_hint = false} : vector<128x1024xf32>, vector<1024x2048xf32>, vector<128x2048xf32> -> vector<128x2048xf32>
    %get3A_8 = arith.constant 0 : index
    %get3A_9 = arith.constant 0 : index
    %get3A_10 = arith.constant 0 : index
    %get3A_11 = vector.load %arg6[%get3A_8, %get3A_9, %get3A_10] : memref<1x1x2048xf32, #tpu.memory_space<vmem>>, vector<1x1x2048xf32>
    %get3A_12 = vector.shape_cast %get3A_11 : vector<1x1x2048xf32> to vector<2048xf32>
    %broadcast_in_dim3A = vector.shape_cast %get3A_12 : vector<2048xf32> to vector<1x2048xf32>
    %add3A = vector.broadcast %broadcast_in_dim3A : vector<1x2048xf32> to vector<128x2048xf32>
    %add3A_13 = arith.addf %dot_general3A_7, %add3A : vector<128x2048xf32>
    %get3A_14 = arith.constant 0 : index
    %get3A_15 = arith.constant 0 : index
    %get3A_16 = arith.constant 0 : index
    %get3A_17 = vector.load %arg4[%get3A_14, %get3A_15, %get3A_16] : memref<1x1024x2048xf32, #tpu.memory_space<vmem>>, vector<1x1024x2048xf32>
    %get3A_18 = vector.shape_cast %get3A_17 : vector<1x1024x2048xf32> to vector<1024x2048xf32>
    %dot_general3A_19 = arith.constant dense<0.000000e+00> : vector<128x2048xf32>
    %dot_general3A_20 = tpu.matmul %get3A_1, %get3A_18, %dot_general3A_19 {dimension_numbers = #tpu.dot_dimension_numbers<[1], [0], [0], [1], [0, 0, 1, 1], [], []>, transpose_lhs_hint = false} : vector<128x1024xf32>, vector<1024x2048xf32>, vector<128x2048xf32> -> vector<128x2048xf32>
    %get3A_21 = arith.constant 0 : index
    %get3A_22 = arith.constant 0 : index
    %get3A_23 = arith.constant 0 : index
    %get3A_24 = vector.load %arg7[%get3A_21, %get3A_22, %get3A_23] : memref<1x1x2048xf32, #tpu.memory_space<vmem>>, vector<1x1x2048xf32>
    %get3A_25 = vector.shape_cast %get3A_24 : vector<1x1x2048xf32> to vector<2048xf32>
    %broadcast_in_dim3A_26 = vector.shape_cast %get3A_25 : vector<2048xf32> to vector<1x2048xf32>
    %add3A_27 = vector.broadcast %broadcast_in_dim3A_26 : vector<1x2048xf32> to vector<128x2048xf32>
    %add3A_28 = arith.addf %dot_general3A_20, %add3A_27 : vector<128x2048xf32>
    %logistic3A = arith.negf %add3A_13 : vector<128x2048xf32>
    %logistic3A_29 = math.exp %logistic3A : vector<128x2048xf32>
    %logistic3A_30 = arith.constant 1.000000e+00 : f32
    %logistic3A_31 = vector.broadcast %logistic3A_30 : f32 to vector<128x2048xf32>
    %logistic3A_32 = arith.addf %logistic3A_31, %logistic3A_29 : vector<128x2048xf32>
    %logistic3A_33 = arith.divf %logistic3A_31, %logistic3A_32 : vector<128x2048xf32>
    %mul3A = arith.mulf %add3A_13, %logistic3A_33 : vector<128x2048xf32>
    %mul3A_34 = arith.mulf %mul3A, %add3A_28 : vector<128x2048xf32>
    %get3A_35 = arith.constant 0 : index
    %get3A_36 = arith.constant 0 : index
    %get3A_37 = arith.constant 0 : index
    %get3A_38 = vector.load %arg5[%get3A_35, %get3A_36, %get3A_37] : memref<1x2048x1024xf32, #tpu.memory_space<vmem>>, vector<1x2048x1024xf32>
    %get3A_39 = vector.shape_cast %get3A_38 : vector<1x2048x1024xf32> to vector<2048x1024xf32>
    %dot_general3A_40 = arith.constant dense<0.000000e+00> : vector<128x1024xf32>
    %dot_general3A_41 = tpu.matmul %mul3A_34, %get3A_39, %dot_general3A_40 {dimension_numbers = #tpu.dot_dimension_numbers<[1], [0], [0], [1], [0, 0, 1, 1], [], []>, transpose_lhs_hint = false} : vector<128x2048xf32>, vector<2048x1024xf32>, vector<128x1024xf32> -> vector<128x1024xf32>
    %get3A_42 = arith.constant 0 : index
    %get3A_43 = arith.constant 0 : index
    %get3A_44 = arith.constant 0 : index
    %get3A_45 = vector.load %arg8[%get3A_42, %get3A_43, %get3A_44] : memref<1x1x1024xf32, #tpu.memory_space<vmem>>, vector<1x1x1024xf32>
    %get3A_46 = vector.shape_cast %get3A_45 : vector<1x1x1024xf32> to vector<1024xf32>
    %broadcast_in_dim3A_47 = vector.shape_cast %get3A_46 : vector<1024xf32> to vector<1x1024xf32>
    %add3A_48 = vector.broadcast %broadcast_in_dim3A_47 : vector<1x1024xf32> to vector<128x1024xf32>
    %add3A_49 = arith.addf %dot_general3A_41, %add3A_48 : vector<128x1024xf32>
    %get3A_50 = arith.constant 0 : index
    %get3A_51 = arith.constant 0 : index
    %get3A_52 = arith.constant 0 : index
    %get3A_53 = vector.load %arg9[%get3A_50, %get3A_51, %get3A_52] : memref<1x1x128xf32, #tpu.memory_space<vmem>>, vector<1x1x128xf32>
    %get3A_54 = vector.shape_cast %get3A_53 : vector<1x1x128xf32> to vector<128xf32>
    %broadcast_in_dim3A_55 = vector.shape_cast %get3A_54 : vector<128xf32> to vector<128x1xf32>
    %mul3A_56 = vector.broadcast %broadcast_in_dim3A_55 : vector<128x1xf32> to vector<128x1024xf32>
    %mul3A_57 = arith.mulf %add3A_49, %mul3A_56 : vector<128x1024xf32>
    %swap3A = arith.constant 0 : index
    %swap3A_58 = arith.constant 0 : index
    %swap3A_59 = vector.load %arg10[%swap3A, %swap3A_58] : memref<128x1024xf32, #tpu.memory_space<vmem>>, vector<128x1024xf32>
    tpu.vector_store %arg10[%swap3A, %swap3A_58], %mul3A_57 {strides = array<i32>} : memref<128x1024xf32, #tpu.memory_space<vmem>>, vector<128x1024xf32>,
    return
  }
  func.func @transform_0(%arg0: i32, %arg1: memref<32xi32, #tpu.memory_space<smem>>) -> (i32, i32) {
    %c0_i32 = arith.constant 0 : i32
    %c0_i32_0 = arith.constant 0 : i32
    return %arg0, %c0_i32 : i32, i32
  }
  func.func @transform_1(%arg0: i32, %arg1: memref<32xi32, #tpu.memory_space<smem>>) -> (i32, i32, i32) {
    %get3A = arith.index_cast %arg0 : i32 to index
    %get3A_0 = memref.load %arg1[%get3A] : memref<32xi32, #tpu.memory_space<smem>>
    %c0_i32 = arith.constant 0 : i32
    %c0_i32_1 = arith.constant 0 : i32
    %c0_i32_2 = arith.constant 0 : i32
    return %get3A_0, %c0_i32, %c0_i32_1 : i32, i32, i32
  }
  func.func @transform_2(%arg0: i32, %arg1: memref<32xi32, #tpu.memory_space<smem>>) -> (i32, i32, i32) {
    %get3A = arith.index_cast %arg0 : i32 to index
    %get3A_0 = memref.load %arg1[%get3A] : memref<32xi32, #tpu.memory_space<smem>>
    %c0_i32 = arith.constant 0 : i32
    %c0_i32_1 = arith.constant 0 : i32
    %c0_i32_2 = arith.constant 0 : i32
    return %get3A_0, %c0_i32, %c0_i32_1 : i32, i32, i32
  }
  func.func @transform_3(%arg0: i32, %arg1: memref<32xi32, #tpu.memory_space<smem>>) -> (i32, i32, i32) {
    %get3A = arith.index_cast %arg0 : i32 to index
    %get3A_0 = memref.load %arg1[%get3A] : memref<32xi32, #tpu.memory_space<smem>>
    %c0_i32 = arith.constant 0 : i32
    %c0_i32_1 = arith.constant 0 : i32
    %c0_i32_2 = arith.constant 0 : i32
    return %get3A_0, %c0_i32, %c0_i32_1 : i32, i32, i32
  }
  func.func @transform_4(%arg0: i32, %arg1: memref<32xi32, #tpu.memory_space<smem>>) -> (i32, i32, i32) {
    %get3A = arith.index_cast %arg0 : i32 to index
    %get3A_0 = memref.load %arg1[%get3A] : memref<32xi32, #tpu.memory_space<smem>>
    %c0_i32 = arith.constant 0 : i32
    %c0_i32_1 = arith.constant 0 : i32
    %c0_i32_2 = arith.constant 0 : i32
    return %get3A_0, %c0_i32, %c0_i32_1 : i32, i32, i32
  }
  func.func @transform_5(%arg0: i32, %arg1: memref<32xi32, #tpu.memory_space<smem>>) -> (i32, i32, i32) {
    %get3A = arith.index_cast %arg0 : i32 to index
    %get3A_0 = memref.load %arg1[%get3A] : memref<32xi32, #tpu.memory_space<smem>>
    %c0_i32 = arith.constant 0 : i32
    %c0_i32_1 = arith.constant 0 : i32
    %c0_i32_2 = arith.constant 0 : i32
    return %get3A_0, %c0_i32, %c0_i32_1 : i32, i32, i32
  }
  func.func @transform_6(%arg0: i32, %arg1: memref<32xi32, #tpu.memory_space<smem>>) -> (i32, i32, i32) {
    %get3A = arith.index_cast %arg0 : i32 to index
    %get3A_0 = memref.load %arg1[%get3A] : memref<32xi32, #tpu.memory_space<smem>>
    %c0_i32 = arith.constant 0 : i32
    %c0_i32_1 = arith.constant 0 : i32
    %c0_i32_2 = arith.constant 0 : i32
    return %get3A_0, %c0_i32, %c0_i32_1 : i32, i32, i32
  }
  func.func @transform_7(%arg0: i32, %arg1: memref<32xi32, #tpu.memory_space<smem>>) -> (i32, i32, i32) {
    %c0_i32 = arith.constant 0 : i32
    %c0_i32_0 = arith.constant 0 : i32
    %c0_i32_1 = arith.constant 0 : i32
    return %arg0, %c0_i32, %c0_i32_0 : i32, i32, i32
  }
  func.func @transform_8(%arg0: i32, %arg1: memref<32xi32, #tpu.memory_space<smem>>) -> (i32, i32) {
    %c0_i32 = arith.constant 0 : i32
    %c0_i32_0 = arith.constant 0 : i32
    return %arg0, %c0_i32 : i32, i32
  }
}

module attributes {stable_mosaic.version = 14 : i64} {
  func.func @_router_body(%arg0: memref<2048x1024xf32, #tpu.memory_space<vmem>>, %arg1: memref<1024x128xf32, #tpu.memory_space<vmem>>, %arg2: memref<1x128xf32, #tpu.memory_space<vmem>>, %arg3: memref<16x128xi32, #tpu.memory_space<vmem>>, %arg4: memref<32x128xi32, #tpu.memory_space<vmem>>, %arg5: memref<32x128xf32, #tpu.memory_space<vmem>>, %arg6: memref<1x128xi32, #tpu.memory_space<vmem>>, %arg7: memref<1x128xf32, #tpu.memory_space<vmem>>, %arg8: memref<1x128xf32, #tpu.memory_space<vmem>>) attributes {dimension_semantics = [], scalar_prefetch = 0 : i64, scratch_operands = 0 : i64, tpu.core_type = #tpu.core_type<tc>} {
    %get3A = arith.constant 0 : index
    %get3A_0 = arith.constant 0 : index
    %get3A_1 = vector.load %arg0[%get3A, %get3A_0] : memref<2048x1024xf32, #tpu.memory_space<vmem>>, vector<2048x1024xf32>
    %get3A_2 = arith.constant 0 : index
    %get3A_3 = arith.constant 0 : index
    %get3A_4 = vector.load %arg1[%get3A_2, %get3A_3] : memref<1024x128xf32, #tpu.memory_space<vmem>>, vector<1024x128xf32>
    %dot_general3A = arith.constant dense<0.000000e+00> : vector<2048x128xf32>
    %dot_general3A_5 = tpu.matmul %get3A_1, %get3A_4, %dot_general3A {dimension_numbers = #tpu.dot_dimension_numbers<[1], [0], [0], [1], [0, 0, 1, 1], [], []>, transpose_lhs_hint = false} : vector<2048x1024xf32>, vector<1024x128xf32>, vector<2048x128xf32> -> vector<2048x128xf32>
    %get3A_6 = arith.constant 0 : index
    %get3A_7 = arith.constant 0 : index
    %get3A_8 = vector.load %arg2[%get3A_6, %get3A_7] : memref<1x128xf32, #tpu.memory_space<vmem>>, vector<1x128xf32>
    %add3A = vector.broadcast %get3A_8 : vector<1x128xf32> to vector<2048x128xf32>
    %add3A_9 = arith.addf %dot_general3A_5, %add3A : vector<2048x128xf32>
    %iota3A = tpu.iota {dimensions = array<i32: 1>} : vector<2048x128xi32>
    %lt3A = arith.constant 16 : i32
    %lt3A_10 = vector.broadcast %lt3A : i32 to vector<2048x128xi32>
    %lt3A_11 = arith.cmpi slt, %iota3A, %lt3A_10 : vector<2048x128xi32>
    %jit3A = arith.constant -1.000000e+30 : f32
    %broadcast_in_dim3A = vector.broadcast %jit3A : f32 to vector<2048x128xf32>
    %select_n3A = arith.select %lt3A_11, %add3A_9, %broadcast_in_dim3A : vector<2048x128xi1>, vector<2048x128xf32>
    %reduce_max3A = arith.constant dense<0xFF800000> : vector<2048xf32>
    %reduce_max3A_12 = vector.multi_reduction <maximumf>, %select_n3A, %reduce_max3A [1] : vector<2048x128xf32> to vector<2048xf32>
    %broadcast_in_dim3A_13 = vector.shape_cast %reduce_max3A_12 : vector<2048xf32> to vector<2048x1xf32>
    %sub3A = vector.broadcast %broadcast_in_dim3A_13 : vector<2048x1xf32> to vector<2048x128xf32>
    %sub3A_14 = arith.subf %select_n3A, %sub3A : vector<2048x128xf32>
    %exp3A = math.exp %sub3A_14 : vector<2048x128xf32>
    %jit3A_15 = arith.constant 0.000000e+00 : f32
    %broadcast_in_dim3A_16 = vector.broadcast %jit3A_15 : f32 to vector<2048x128xf32>
    %select_n3A_17 = arith.select %lt3A_11, %exp3A, %broadcast_in_dim3A_16 : vector<2048x128xi1>, vector<2048x128xf32>
    %reduce_sum3A = arith.constant dense<0.000000e+00> : vector<2048xf32>
    %reduce_sum3A_18 = vector.multi_reduction <add>, %select_n3A_17, %reduce_sum3A [1] : vector<2048x128xf32> to vector<2048xf32>
    %broadcast_in_dim3A_19 = vector.shape_cast %reduce_sum3A_18 : vector<2048xf32> to vector<2048x1xf32>
    %squeeze3A = vector.shape_cast %broadcast_in_dim3A_13 : vector<2048x1xf32> to vector<2048xf32>
    %squeeze3A_20 = vector.shape_cast %broadcast_in_dim3A_19 : vector<2048x1xf32> to vector<2048xf32>
    %log3A = math.log %squeeze3A_20 : vector<2048xf32>
    %add3A_21 = arith.addf %squeeze3A, %log3A : vector<2048xf32>
    %div3A = vector.broadcast %broadcast_in_dim3A_19 : vector<2048x1xf32> to vector<2048x128xf32>
    %div3A_22 = arith.divf %select_n3A_17, %div3A : vector<2048x128xf32>
    %eq3A = vector.broadcast %broadcast_in_dim3A_13 : vector<2048x1xf32> to vector<2048x128xf32>
    %eq3A_23 = arith.cmpf oeq, %select_n3A, %eq3A : vector<2048x128xf32>
    %jit3A_24 = arith.constant 128 : i32
    %broadcast_in_dim3A_25 = vector.broadcast %jit3A_24 : i32 to vector<2048x128xi32>
    %select_n3A_26 = arith.select %eq3A_23, %iota3A, %broadcast_in_dim3A_25 : vector<2048x128xi1>, vector<2048x128xi32>
    %reduce_min3A = arith.constant dense<2147483647> : vector<2048xi32>
    %reduce_min3A_27 = vector.multi_reduction <minsi>, %select_n3A_26, %reduce_min3A [1] : vector<2048x128xi32> to vector<2048xi32>
    %reduce_max3A_28 = arith.constant dense<0xFF800000> : vector<2048xf32>
    %reduce_max3A_29 = vector.multi_reduction <maximumf>, %div3A_22, %reduce_max3A_28 [1] : vector<2048x128xf32> to vector<2048xf32>
    %mul3A = arith.mulf %add3A_21, %add3A_21 : vector<2048xf32>
    %reduce_sum3A_30 = vector.shape_cast %mul3A : vector<2048xf32> to vector<1x2048xf32>
    %reduce_sum3A_31 = arith.constant dense<0.000000e+00> : vector<1xf32>
    %reduce_sum3A_32 = vector.multi_reduction <add>, %reduce_sum3A_30, %reduce_sum3A_31 [1] : vector<1x2048xf32> to vector<1xf32>
    %reduce_sum3A_33 = vector.shape_cast %reduce_sum3A_32 : vector<1xf32> to vector<1x1xf32>
    %reduce_sum3A_34 = vector.extract %reduce_sum3A_33[0, 0] : f32 from vector<1x1xf32>
    %div3A_35 = arith.constant 2.048000e+03 : f32
    %div3A_36 = arith.divf %reduce_sum3A_34, %div3A_35 : f32
    %reduce_sum3A_37 = arith.constant dense<0.000000e+00> : vector<128xf32>
    %reduce_sum3A_38 = vector.multi_reduction <add>, %div3A_22, %reduce_sum3A_37 [0] : vector<2048x128xf32> to vector<128xf32>
    %iota3A_39 = tpu.iota {dimensions = array<i32: 0>} : vector<256x256xi32>
    %iota3A_40 = tpu.iota {dimensions = array<i32: 1>} : vector<256x256xi32>
    %gt3A = arith.cmpi sgt, %iota3A_39, %iota3A_40 : vector<256x256xi32>
    %iota3A_41 = tpu.iota {dimensions = array<i32: 1>} : vector<256x128xi32>
    %broadcast_in_dim3A_42 = arith.constant 0 : i32
    %broadcast_in_dim3A_43 = vector.broadcast %broadcast_in_dim3A_42 : i32 to vector<128xi32>
    %slice3A = vector.extract_strided_slice %reduce_min3A_27 {offsets = [0], sizes = [256], strides = [1]} : vector<2048xi32> to vector<256xi32>
    %broadcast_in_dim3A_44 = vector.shape_cast %slice3A : vector<256xi32> to vector<256x1xi32>
    %broadcast_in_dim3A_45 = vector.shape_cast %slice3A : vector<256xi32> to vector<1x256xi32>
    %eq3A_46 = vector.broadcast %broadcast_in_dim3A_44 : vector<256x1xi32> to vector<256x256xi32>
    %eq3A_47 = vector.broadcast %broadcast_in_dim3A_45 : vector<1x256xi32> to vector<256x256xi32>
    %eq3A_48 = arith.cmpi eq, %eq3A_46, %eq3A_47 : vector<256x256xi32>
    %and3A = arith.andi %eq3A_48, %gt3A : vector<256x256xi1>
    %jit3A_49 = arith.constant 1 : i32
    %jit3A_50 = arith.constant 0 : i32
    %broadcast_in_dim3A_51 = vector.broadcast %jit3A_49 : i32 to vector<256x256xi32>
    %broadcast_in_dim3A_52 = vector.broadcast %jit3A_50 : i32 to vector<256x256xi32>
    %select_n3A_53 = arith.select %and3A, %broadcast_in_dim3A_51, %broadcast_in_dim3A_52 : vector<256x256xi1>, vector<256x256xi32>
    %reduce_sum3A_54 = arith.constant dense<0> : vector<256xi32>
    %reduce_sum3A_55 = vector.multi_reduction <add>, %select_n3A_53, %reduce_sum3A_54 [1] : vector<256x256xi32> to vector<256xi32>
    %broadcast_in_dim3A_56 = vector.shape_cast %slice3A : vector<256xi32> to vector<256x1xi32>
    %eq3A_57 = vector.broadcast %broadcast_in_dim3A_56 : vector<256x1xi32> to vector<256x128xi32>
    %eq3A_58 = arith.cmpi eq, %eq3A_57, %iota3A_41 : vector<256x128xi32>
    %broadcast_in_dim3A_59 = vector.shape_cast %broadcast_in_dim3A_43 : vector<128xi32> to vector<1x128xi32>
    %jit3A_60 = arith.constant 0 : i32
    %broadcast_in_dim3A_61 = vector.shape_cast %broadcast_in_dim3A_59 : vector<1x128xi32> to vector<1x128xi32>
    %broadcast_in_dim3A_62 = vector.broadcast %broadcast_in_dim3A_61 : vector<1x128xi32> to vector<256x128xi32>
    %broadcast_in_dim3A_63 = vector.broadcast %jit3A_60 : i32 to vector<256x128xi32>
    %select_n3A_64 = arith.select %eq3A_58, %broadcast_in_dim3A_62, %broadcast_in_dim3A_63 : vector<256x128xi1>, vector<256x128xi32>
    %reduce_sum3A_65 = arith.constant dense<0> : vector<256xi32>
    %reduce_sum3A_66 = vector.multi_reduction <add>, %select_n3A_64, %reduce_sum3A_65 [1] : vector<256x128xi32> to vector<256xi32>
    %add3A_67 = arith.addi %reduce_sum3A_55, %reduce_sum3A_66 : vector<256xi32>
    %convert_element_type3A = arith.extui %eq3A_58 : vector<256x128xi1> to vector<256x128xi32>
    %reduce_sum3A_68 = arith.constant dense<0> : vector<128xi32>
    %reduce_sum3A_69 = vector.multi_reduction <add>, %convert_element_type3A, %reduce_sum3A_68 [0] : vector<256x128xi32> to vector<128xi32>
    %add3A_70 = arith.addi %broadcast_in_dim3A_43, %reduce_sum3A_69 : vector<128xi32>
    %slice3A_71 = vector.extract_strided_slice %reduce_min3A_27 {offsets = [256], sizes = [256], strides = [1]} : vector<2048xi32> to vector<256xi32>
    %broadcast_in_dim3A_72 = vector.shape_cast %slice3A_71 : vector<256xi32> to vector<256x1xi32>
    %broadcast_in_dim3A_73 = vector.shape_cast %slice3A_71 : vector<256xi32> to vector<1x256xi32>
    %eq3A_74 = vector.broadcast %broadcast_in_dim3A_72 : vector<256x1xi32> to vector<256x256xi32>
    %eq3A_75 = vector.broadcast %broadcast_in_dim3A_73 : vector<1x256xi32> to vector<256x256xi32>
    %eq3A_76 = arith.cmpi eq, %eq3A_74, %eq3A_75 : vector<256x256xi32>
    %and3A_77 = arith.andi %eq3A_76, %gt3A : vector<256x256xi1>
    %jit3A_78 = arith.constant 1 : i32
    %jit3A_79 = arith.constant 0 : i32
    %broadcast_in_dim3A_80 = vector.broadcast %jit3A_78 : i32 to vector<256x256xi32>
    %broadcast_in_dim3A_81 = vector.broadcast %jit3A_79 : i32 to vector<256x256xi32>
    %select_n3A_82 = arith.select %and3A_77, %broadcast_in_dim3A_80, %broadcast_in_dim3A_81 : vector<256x256xi1>, vector<256x256xi32>
    %reduce_sum3A_83 = arith.constant dense<0> : vector<256xi32>
    %reduce_sum3A_84 = vector.multi_reduction <add>, %select_n3A_82, %reduce_sum3A_83 [1] : vector<256x256xi32> to vector<256xi32>
    %broadcast_in_dim3A_85 = vector.shape_cast %slice3A_71 : vector<256xi32> to vector<256x1xi32>
    %eq3A_86 = vector.broadcast %broadcast_in_dim3A_85 : vector<256x1xi32> to vector<256x128xi32>
    %eq3A_87 = arith.cmpi eq, %eq3A_86, %iota3A_41 : vector<256x128xi32>
    %broadcast_in_dim3A_88 = vector.shape_cast %add3A_70 : vector<128xi32> to vector<1x128xi32>
    %jit3A_89 = arith.constant 0 : i32
    %broadcast_in_dim3A_90 = vector.shape_cast %broadcast_in_dim3A_88 : vector<1x128xi32> to vector<1x128xi32>
    %broadcast_in_dim3A_91 = vector.broadcast %broadcast_in_dim3A_90 : vector<1x128xi32> to vector<256x128xi32>
    %broadcast_in_dim3A_92 = vector.broadcast %jit3A_89 : i32 to vector<256x128xi32>
    %select_n3A_93 = arith.select %eq3A_87, %broadcast_in_dim3A_91, %broadcast_in_dim3A_92 : vector<256x128xi1>, vector<256x128xi32>
    %reduce_sum3A_94 = arith.constant dense<0> : vector<256xi32>
    %reduce_sum3A_95 = vector.multi_reduction <add>, %select_n3A_93, %reduce_sum3A_94 [1] : vector<256x128xi32> to vector<256xi32>
    %add3A_96 = arith.addi %reduce_sum3A_84, %reduce_sum3A_95 : vector<256xi32>
    %convert_element_type3A_97 = arith.extui %eq3A_87 : vector<256x128xi1> to vector<256x128xi32>
    %reduce_sum3A_98 = arith.constant dense<0> : vector<128xi32>
    %reduce_sum3A_99 = vector.multi_reduction <add>, %convert_element_type3A_97, %reduce_sum3A_98 [0] : vector<256x128xi32> to vector<128xi32>
    %add3A_100 = arith.addi %add3A_70, %reduce_sum3A_99 : vector<128xi32>
    %slice3A_101 = vector.extract_strided_slice %reduce_min3A_27 {offsets = [512], sizes = [256], strides = [1]} : vector<2048xi32> to vector<256xi32>
    %broadcast_in_dim3A_102 = vector.shape_cast %slice3A_101 : vector<256xi32> to vector<256x1xi32>
    %broadcast_in_dim3A_103 = vector.shape_cast %slice3A_101 : vector<256xi32> to vector<1x256xi32>
    %eq3A_104 = vector.broadcast %broadcast_in_dim3A_102 : vector<256x1xi32> to vector<256x256xi32>
    %eq3A_105 = vector.broadcast %broadcast_in_dim3A_103 : vector<1x256xi32> to vector<256x256xi32>
    %eq3A_106 = arith.cmpi eq, %eq3A_104, %eq3A_105 : vector<256x256xi32>
    %and3A_107 = arith.andi %eq3A_106, %gt3A : vector<256x256xi1>
    %jit3A_108 = arith.constant 1 : i32
    %jit3A_109 = arith.constant 0 : i32
    %broadcast_in_dim3A_110 = vector.broadcast %jit3A_108 : i32 to vector<256x256xi32>
    %broadcast_in_dim3A_111 = vector.broadcast %jit3A_109 : i32 to vector<256x256xi32>
    %select_n3A_112 = arith.select %and3A_107, %broadcast_in_dim3A_110, %broadcast_in_dim3A_111 : vector<256x256xi1>, vector<256x256xi32>
    %reduce_sum3A_113 = arith.constant dense<0> : vector<256xi32>
    %reduce_sum3A_114 = vector.multi_reduction <add>, %select_n3A_112, %reduce_sum3A_113 [1] : vector<256x256xi32> to vector<256xi32>
    %broadcast_in_dim3A_115 = vector.shape_cast %slice3A_101 : vector<256xi32> to vector<256x1xi32>
    %eq3A_116 = vector.broadcast %broadcast_in_dim3A_115 : vector<256x1xi32> to vector<256x128xi32>
    %eq3A_117 = arith.cmpi eq, %eq3A_116, %iota3A_41 : vector<256x128xi32>
    %broadcast_in_dim3A_118 = vector.shape_cast %add3A_100 : vector<128xi32> to vector<1x128xi32>
    %jit3A_119 = arith.constant 0 : i32
    %broadcast_in_dim3A_120 = vector.shape_cast %broadcast_in_dim3A_118 : vector<1x128xi32> to vector<1x128xi32>
    %broadcast_in_dim3A_121 = vector.broadcast %broadcast_in_dim3A_120 : vector<1x128xi32> to vector<256x128xi32>
    %broadcast_in_dim3A_122 = vector.broadcast %jit3A_119 : i32 to vector<256x128xi32>
    %select_n3A_123 = arith.select %eq3A_117, %broadcast_in_dim3A_121, %broadcast_in_dim3A_122 : vector<256x128xi1>, vector<256x128xi32>
    %reduce_sum3A_124 = arith.constant dense<0> : vector<256xi32>
    %reduce_sum3A_125 = vector.multi_reduction <add>, %select_n3A_123, %reduce_sum3A_124 [1] : vector<256x128xi32> to vector<256xi32>
    %add3A_126 = arith.addi %reduce_sum3A_114, %reduce_sum3A_125 : vector<256xi32>
    %convert_element_type3A_127 = arith.extui %eq3A_117 : vector<256x128xi1> to vector<256x128xi32>
    %reduce_sum3A_128 = arith.constant dense<0> : vector<128xi32>
    %reduce_sum3A_129 = vector.multi_reduction <add>, %convert_element_type3A_127, %reduce_sum3A_128 [0] : vector<256x128xi32> to vector<128xi32>
    %add3A_130 = arith.addi %add3A_100, %reduce_sum3A_129 : vector<128xi32>
    %slice3A_131 = vector.extract_strided_slice %reduce_min3A_27 {offsets = [768], sizes = [256], strides = [1]} : vector<2048xi32> to vector<256xi32>
    %broadcast_in_dim3A_132 = vector.shape_cast %slice3A_131 : vector<256xi32> to vector<256x1xi32>
    %broadcast_in_dim3A_133 = vector.shape_cast %slice3A_131 : vector<256xi32> to vector<1x256xi32>
    %eq3A_134 = vector.broadcast %broadcast_in_dim3A_132 : vector<256x1xi32> to vector<256x256xi32>
    %eq3A_135 = vector.broadcast %broadcast_in_dim3A_133 : vector<1x256xi32> to vector<256x256xi32>
    %eq3A_136 = arith.cmpi eq, %eq3A_134, %eq3A_135 : vector<256x256xi32>
    %and3A_137 = arith.andi %eq3A_136, %gt3A : vector<256x256xi1>
    %jit3A_138 = arith.constant 1 : i32
    %jit3A_139 = arith.constant 0 : i32
    %broadcast_in_dim3A_140 = vector.broadcast %jit3A_138 : i32 to vector<256x256xi32>
    %broadcast_in_dim3A_141 = vector.broadcast %jit3A_139 : i32 to vector<256x256xi32>
    %select_n3A_142 = arith.select %and3A_137, %broadcast_in_dim3A_140, %broadcast_in_dim3A_141 : vector<256x256xi1>, vector<256x256xi32>
    %reduce_sum3A_143 = arith.constant dense<0> : vector<256xi32>
    %reduce_sum3A_144 = vector.multi_reduction <add>, %select_n3A_142, %reduce_sum3A_143 [1] : vector<256x256xi32> to vector<256xi32>
    %broadcast_in_dim3A_145 = vector.shape_cast %slice3A_131 : vector<256xi32> to vector<256x1xi32>
    %eq3A_146 = vector.broadcast %broadcast_in_dim3A_145 : vector<256x1xi32> to vector<256x128xi32>
    %eq3A_147 = arith.cmpi eq, %eq3A_146, %iota3A_41 : vector<256x128xi32>
    %broadcast_in_dim3A_148 = vector.shape_cast %add3A_130 : vector<128xi32> to vector<1x128xi32>
    %jit3A_149 = arith.constant 0 : i32
    %broadcast_in_dim3A_150 = vector.shape_cast %broadcast_in_dim3A_148 : vector<1x128xi32> to vector<1x128xi32>
    %broadcast_in_dim3A_151 = vector.broadcast %broadcast_in_dim3A_150 : vector<1x128xi32> to vector<256x128xi32>
    %broadcast_in_dim3A_152 = vector.broadcast %jit3A_149 : i32 to vector<256x128xi32>
    %select_n3A_153 = arith.select %eq3A_147, %broadcast_in_dim3A_151, %broadcast_in_dim3A_152 : vector<256x128xi1>, vector<256x128xi32>
    %reduce_sum3A_154 = arith.constant dense<0> : vector<256xi32>
    %reduce_sum3A_155 = vector.multi_reduction <add>, %select_n3A_153, %reduce_sum3A_154 [1] : vector<256x128xi32> to vector<256xi32>
    %add3A_156 = arith.addi %reduce_sum3A_144, %reduce_sum3A_155 : vector<256xi32>
    %convert_element_type3A_157 = arith.extui %eq3A_147 : vector<256x128xi1> to vector<256x128xi32>
    %reduce_sum3A_158 = arith.constant dense<0> : vector<128xi32>
    %reduce_sum3A_159 = vector.multi_reduction <add>, %convert_element_type3A_157, %reduce_sum3A_158 [0] : vector<256x128xi32> to vector<128xi32>
    %add3A_160 = arith.addi %add3A_130, %reduce_sum3A_159 : vector<128xi32>
    %slice3A_161 = vector.extract_strided_slice %reduce_min3A_27 {offsets = [1024], sizes = [256], strides = [1]} : vector<2048xi32> to vector<256xi32>
    %broadcast_in_dim3A_162 = vector.shape_cast %slice3A_161 : vector<256xi32> to vector<256x1xi32>
    %broadcast_in_dim3A_163 = vector.shape_cast %slice3A_161 : vector<256xi32> to vector<1x256xi32>
    %eq3A_164 = vector.broadcast %broadcast_in_dim3A_162 : vector<256x1xi32> to vector<256x256xi32>
    %eq3A_165 = vector.broadcast %broadcast_in_dim3A_163 : vector<1x256xi32> to vector<256x256xi32>
    %eq3A_166 = arith.cmpi eq, %eq3A_164, %eq3A_165 : vector<256x256xi32>
    %and3A_167 = arith.andi %eq3A_166, %gt3A : vector<256x256xi1>
    %jit3A_168 = arith.constant 1 : i32
    %jit3A_169 = arith.constant 0 : i32
    %broadcast_in_dim3A_170 = vector.broadcast %jit3A_168 : i32 to vector<256x256xi32>
    %broadcast_in_dim3A_171 = vector.broadcast %jit3A_169 : i32 to vector<256x256xi32>
    %select_n3A_172 = arith.select %and3A_167, %broadcast_in_dim3A_170, %broadcast_in_dim3A_171 : vector<256x256xi1>, vector<256x256xi32>
    %reduce_sum3A_173 = arith.constant dense<0> : vector<256xi32>
    %reduce_sum3A_174 = vector.multi_reduction <add>, %select_n3A_172, %reduce_sum3A_173 [1] : vector<256x256xi32> to vector<256xi32>
    %broadcast_in_dim3A_175 = vector.shape_cast %slice3A_161 : vector<256xi32> to vector<256x1xi32>
    %eq3A_176 = vector.broadcast %broadcast_in_dim3A_175 : vector<256x1xi32> to vector<256x128xi32>
    %eq3A_177 = arith.cmpi eq, %eq3A_176, %iota3A_41 : vector<256x128xi32>
    %broadcast_in_dim3A_178 = vector.shape_cast %add3A_160 : vector<128xi32> to vector<1x128xi32>
    %jit3A_179 = arith.constant 0 : i32
    %broadcast_in_dim3A_180 = vector.shape_cast %broadcast_in_dim3A_178 : vector<1x128xi32> to vector<1x128xi32>
    %broadcast_in_dim3A_181 = vector.broadcast %broadcast_in_dim3A_180 : vector<1x128xi32> to vector<256x128xi32>
    %broadcast_in_dim3A_182 = vector.broadcast %jit3A_179 : i32 to vector<256x128xi32>
    %select_n3A_183 = arith.select %eq3A_177, %broadcast_in_dim3A_181, %broadcast_in_dim3A_182 : vector<256x128xi1>, vector<256x128xi32>
    %reduce_sum3A_184 = arith.constant dense<0> : vector<256xi32>
    %reduce_sum3A_185 = vector.multi_reduction <add>, %select_n3A_183, %reduce_sum3A_184 [1] : vector<256x128xi32> to vector<256xi32>
    %add3A_186 = arith.addi %reduce_sum3A_174, %reduce_sum3A_185 : vector<256xi32>
    %convert_element_type3A_187 = arith.extui %eq3A_177 : vector<256x128xi1> to vector<256x128xi32>
    %reduce_sum3A_188 = arith.constant dense<0> : vector<128xi32>
    %reduce_sum3A_189 = vector.multi_reduction <add>, %convert_element_type3A_187, %reduce_sum3A_188 [0] : vector<256x128xi32> to vector<128xi32>
    %add3A_190 = arith.addi %add3A_160, %reduce_sum3A_189 : vector<128xi32>
    %slice3A_191 = vector.extract_strided_slice %reduce_min3A_27 {offsets = [1280], sizes = [256], strides = [1]} : vector<2048xi32> to vector<256xi32>
    %broadcast_in_dim3A_192 = vector.shape_cast %slice3A_191 : vector<256xi32> to vector<256x1xi32>
    %broadcast_in_dim3A_193 = vector.shape_cast %slice3A_191 : vector<256xi32> to vector<1x256xi32>
    %eq3A_194 = vector.broadcast %broadcast_in_dim3A_192 : vector<256x1xi32> to vector<256x256xi32>
    %eq3A_195 = vector.broadcast %broadcast_in_dim3A_193 : vector<1x256xi32> to vector<256x256xi32>
    %eq3A_196 = arith.cmpi eq, %eq3A_194, %eq3A_195 : vector<256x256xi32>
    %and3A_197 = arith.andi %eq3A_196, %gt3A : vector<256x256xi1>
    %jit3A_198 = arith.constant 1 : i32
    %jit3A_199 = arith.constant 0 : i32
    %broadcast_in_dim3A_200 = vector.broadcast %jit3A_198 : i32 to vector<256x256xi32>
    %broadcast_in_dim3A_201 = vector.broadcast %jit3A_199 : i32 to vector<256x256xi32>
    %select_n3A_202 = arith.select %and3A_197, %broadcast_in_dim3A_200, %broadcast_in_dim3A_201 : vector<256x256xi1>, vector<256x256xi32>
    %reduce_sum3A_203 = arith.constant dense<0> : vector<256xi32>
    %reduce_sum3A_204 = vector.multi_reduction <add>, %select_n3A_202, %reduce_sum3A_203 [1] : vector<256x256xi32> to vector<256xi32>
    %broadcast_in_dim3A_205 = vector.shape_cast %slice3A_191 : vector<256xi32> to vector<256x1xi32>
    %eq3A_206 = vector.broadcast %broadcast_in_dim3A_205 : vector<256x1xi32> to vector<256x128xi32>
    %eq3A_207 = arith.cmpi eq, %eq3A_206, %iota3A_41 : vector<256x128xi32>
    %broadcast_in_dim3A_208 = vector.shape_cast %add3A_190 : vector<128xi32> to vector<1x128xi32>
    %jit3A_209 = arith.constant 0 : i32
    %broadcast_in_dim3A_210 = vector.shape_cast %broadcast_in_dim3A_208 : vector<1x128xi32> to vector<1x128xi32>
    %broadcast_in_dim3A_211 = vector.broadcast %broadcast_in_dim3A_210 : vector<1x128xi32> to vector<256x128xi32>
    %broadcast_in_dim3A_212 = vector.broadcast %jit3A_209 : i32 to vector<256x128xi32>
    %select_n3A_213 = arith.select %eq3A_207, %broadcast_in_dim3A_211, %broadcast_in_dim3A_212 : vector<256x128xi1>, vector<256x128xi32>
    %reduce_sum3A_214 = arith.constant dense<0> : vector<256xi32>
    %reduce_sum3A_215 = vector.multi_reduction <add>, %select_n3A_213, %reduce_sum3A_214 [1] : vector<256x128xi32> to vector<256xi32>
    %add3A_216 = arith.addi %reduce_sum3A_204, %reduce_sum3A_215 : vector<256xi32>
    %convert_element_type3A_217 = arith.extui %eq3A_207 : vector<256x128xi1> to vector<256x128xi32>
    %reduce_sum3A_218 = arith.constant dense<0> : vector<128xi32>
    %reduce_sum3A_219 = vector.multi_reduction <add>, %convert_element_type3A_217, %reduce_sum3A_218 [0] : vector<256x128xi32> to vector<128xi32>
    %add3A_220 = arith.addi %add3A_190, %reduce_sum3A_219 : vector<128xi32>
    %slice3A_221 = vector.extract_strided_slice %reduce_min3A_27 {offsets = [1536], sizes = [256], strides = [1]} : vector<2048xi32> to vector<256xi32>
    %broadcast_in_dim3A_222 = vector.shape_cast %slice3A_221 : vector<256xi32> to vector<256x1xi32>
    %broadcast_in_dim3A_223 = vector.shape_cast %slice3A_221 : vector<256xi32> to vector<1x256xi32>
    %eq3A_224 = vector.broadcast %broadcast_in_dim3A_222 : vector<256x1xi32> to vector<256x256xi32>
    %eq3A_225 = vector.broadcast %broadcast_in_dim3A_223 : vector<1x256xi32> to vector<256x256xi32>
    %eq3A_226 = arith.cmpi eq, %eq3A_224, %eq3A_225 : vector<256x256xi32>
    %and3A_227 = arith.andi %eq3A_226, %gt3A : vector<256x256xi1>
    %jit3A_228 = arith.constant 1 : i32
    %jit3A_229 = arith.constant 0 : i32
    %broadcast_in_dim3A_230 = vector.broadcast %jit3A_228 : i32 to vector<256x256xi32>
    %broadcast_in_dim3A_231 = vector.broadcast %jit3A_229 : i32 to vector<256x256xi32>
    %select_n3A_232 = arith.select %and3A_227, %broadcast_in_dim3A_230, %broadcast_in_dim3A_231 : vector<256x256xi1>, vector<256x256xi32>
    %reduce_sum3A_233 = arith.constant dense<0> : vector<256xi32>
    %reduce_sum3A_234 = vector.multi_reduction <add>, %select_n3A_232, %reduce_sum3A_233 [1] : vector<256x256xi32> to vector<256xi32>
    %broadcast_in_dim3A_235 = vector.shape_cast %slice3A_221 : vector<256xi32> to vector<256x1xi32>
    %eq3A_236 = vector.broadcast %broadcast_in_dim3A_235 : vector<256x1xi32> to vector<256x128xi32>
    %eq3A_237 = arith.cmpi eq, %eq3A_236, %iota3A_41 : vector<256x128xi32>
    %broadcast_in_dim3A_238 = vector.shape_cast %add3A_220 : vector<128xi32> to vector<1x128xi32>
    %jit3A_239 = arith.constant 0 : i32
    %broadcast_in_dim3A_240 = vector.shape_cast %broadcast_in_dim3A_238 : vector<1x128xi32> to vector<1x128xi32>
    %broadcast_in_dim3A_241 = vector.broadcast %broadcast_in_dim3A_240 : vector<1x128xi32> to vector<256x128xi32>
    %broadcast_in_dim3A_242 = vector.broadcast %jit3A_239 : i32 to vector<256x128xi32>
    %select_n3A_243 = arith.select %eq3A_237, %broadcast_in_dim3A_241, %broadcast_in_dim3A_242 : vector<256x128xi1>, vector<256x128xi32>
    %reduce_sum3A_244 = arith.constant dense<0> : vector<256xi32>
    %reduce_sum3A_245 = vector.multi_reduction <add>, %select_n3A_243, %reduce_sum3A_244 [1] : vector<256x128xi32> to vector<256xi32>
    %add3A_246 = arith.addi %reduce_sum3A_234, %reduce_sum3A_245 : vector<256xi32>
    %convert_element_type3A_247 = arith.extui %eq3A_237 : vector<256x128xi1> to vector<256x128xi32>
    %reduce_sum3A_248 = arith.constant dense<0> : vector<128xi32>
    %reduce_sum3A_249 = vector.multi_reduction <add>, %convert_element_type3A_247, %reduce_sum3A_248 [0] : vector<256x128xi32> to vector<128xi32>
    %add3A_250 = arith.addi %add3A_220, %reduce_sum3A_249 : vector<128xi32>
    %slice3A_251 = vector.extract_strided_slice %reduce_min3A_27 {offsets = [1792], sizes = [256], strides = [1]} : vector<2048xi32> to vector<256xi32>
    %broadcast_in_dim3A_252 = vector.shape_cast %slice3A_251 : vector<256xi32> to vector<256x1xi32>
    %broadcast_in_dim3A_253 = vector.shape_cast %slice3A_251 : vector<256xi32> to vector<1x256xi32>
    %eq3A_254 = vector.broadcast %broadcast_in_dim3A_252 : vector<256x1xi32> to vector<256x256xi32>
    %eq3A_255 = vector.broadcast %broadcast_in_dim3A_253 : vector<1x256xi32> to vector<256x256xi32>
    %eq3A_256 = arith.cmpi eq, %eq3A_254, %eq3A_255 : vector<256x256xi32>
    %and3A_257 = arith.andi %eq3A_256, %gt3A : vector<256x256xi1>
    %jit3A_258 = arith.constant 1 : i32
    %jit3A_259 = arith.constant 0 : i32
    %broadcast_in_dim3A_260 = vector.broadcast %jit3A_258 : i32 to vector<256x256xi32>
    %broadcast_in_dim3A_261 = vector.broadcast %jit3A_259 : i32 to vector<256x256xi32>
    %select_n3A_262 = arith.select %and3A_257, %broadcast_in_dim3A_260, %broadcast_in_dim3A_261 : vector<256x256xi1>, vector<256x256xi32>
    %reduce_sum3A_263 = arith.constant dense<0> : vector<256xi32>
    %reduce_sum3A_264 = vector.multi_reduction <add>, %select_n3A_262, %reduce_sum3A_263 [1] : vector<256x256xi32> to vector<256xi32>
    %broadcast_in_dim3A_265 = vector.shape_cast %slice3A_251 : vector<256xi32> to vector<256x1xi32>
    %eq3A_266 = vector.broadcast %broadcast_in_dim3A_265 : vector<256x1xi32> to vector<256x128xi32>
    %eq3A_267 = arith.cmpi eq, %eq3A_266, %iota3A_41 : vector<256x128xi32>
    %broadcast_in_dim3A_268 = vector.shape_cast %add3A_250 : vector<128xi32> to vector<1x128xi32>
    %jit3A_269 = arith.constant 0 : i32
    %broadcast_in_dim3A_270 = vector.shape_cast %broadcast_in_dim3A_268 : vector<1x128xi32> to vector<1x128xi32>
    %broadcast_in_dim3A_271 = vector.broadcast %broadcast_in_dim3A_270 : vector<1x128xi32> to vector<256x128xi32>
    %broadcast_in_dim3A_272 = vector.broadcast %jit3A_269 : i32 to vector<256x128xi32>
    %select_n3A_273 = arith.select %eq3A_267, %broadcast_in_dim3A_271, %broadcast_in_dim3A_272 : vector<256x128xi1>, vector<256x128xi32>
    %reduce_sum3A_274 = arith.constant dense<0> : vector<256xi32>
    %reduce_sum3A_275 = vector.multi_reduction <add>, %select_n3A_273, %reduce_sum3A_274 [1] : vector<256x128xi32> to vector<256xi32>
    %add3A_276 = arith.addi %reduce_sum3A_264, %reduce_sum3A_275 : vector<256xi32>
    %convert_element_type3A_277 = arith.extui %eq3A_267 : vector<256x128xi1> to vector<256x128xi32>
    %reduce_sum3A_278 = arith.constant dense<0> : vector<128xi32>
    %reduce_sum3A_279 = vector.multi_reduction <add>, %convert_element_type3A_277, %reduce_sum3A_278 [0] : vector<256x128xi32> to vector<128xi32>
    %add3A_280 = arith.addi %add3A_250, %reduce_sum3A_279 : vector<128xi32>
    %concatenate3A = tpu.concatenate %add3A_67, %add3A_96, %add3A_126, %add3A_156, %add3A_186, %add3A_216, %add3A_246, %add3A_276 in 0 : vector<256xi32>, vector<256xi32>, vector<256xi32>, vector<256xi32>, vector<256xi32>, vector<256xi32>, vector<256xi32>, vector<256xi32> -> vector<2048xi32>
    %add3A_281 = arith.constant 127 : i32
    %add3A_282 = vector.broadcast %add3A_281 : i32 to vector<128xi32>
    %add3A_283 = arith.addi %add3A_280, %add3A_282 : vector<128xi32>
    %jit3A_284 = arith.constant 128 : i32
    %div3A_285 = vector.broadcast %jit3A_284 : i32 to vector<128xi32>
    %div3A_286 = arith.divsi %add3A_283, %div3A_285 : vector<128xi32>
    %sign3A = arith.constant 0 : i32
    %sign3A_287 = vector.broadcast %sign3A : i32 to vector<128xi32>
    %sign3A_288 = arith.cmpi sgt, %add3A_283, %sign3A_287 : vector<128xi32>
    %sign3A_289 = arith.extui %sign3A_288 : vector<128xi1> to vector<128xi32>
    %sign3A_290 = arith.constant 0 : i32
    %sign3A_291 = vector.broadcast %sign3A_290 : i32 to vector<128xi32>
    %sign3A_292 = arith.cmpi slt, %add3A_283, %sign3A_291 : vector<128xi32>
    %sign3A_293 = arith.extui %sign3A_292 : vector<128xi1> to vector<128xi32>
    %sign3A_294 = arith.subi %sign3A_289, %sign3A_293 : vector<128xi32>
    %sign3A_295 = arith.constant 0 : i32
    %sign3A_296 = arith.cmpi sgt, %jit3A_284, %sign3A_295 : i32
    %sign3A_297 = arith.extui %sign3A_296 : i1 to i32
    %sign3A_298 = arith.constant 0 : i32
    %sign3A_299 = arith.cmpi slt, %jit3A_284, %sign3A_298 : i32
    %sign3A_300 = arith.extui %sign3A_299 : i1 to i32
    %sign3A_301 = arith.subi %sign3A_297, %sign3A_300 : i32
    %ne3A = vector.broadcast %sign3A_301 : i32 to vector<128xi32>
    %ne3A_302 = arith.cmpi ne, %sign3A_294, %ne3A : vector<128xi32>
    %rem3A = vector.broadcast %jit3A_284 : i32 to vector<128xi32>
    %rem3A_303 = arith.remsi %add3A_283, %rem3A : vector<128xi32>
    %ne3A_304 = arith.constant 0 : i32
    %ne3A_305 = vector.broadcast %ne3A_304 : i32 to vector<128xi32>
    %ne3A_306 = arith.cmpi ne, %rem3A_303, %ne3A_305 : vector<128xi32>
    %and3A_307 = arith.andi %ne3A_302, %ne3A_306 : vector<128xi1>
    %sub3A_308 = arith.constant 1 : i32
    %sub3A_309 = vector.broadcast %sub3A_308 : i32 to vector<128xi32>
    %sub3A_310 = arith.subi %div3A_286, %sub3A_309 : vector<128xi32>
    %select_n3A_311 = arith.select %and3A_307, %sub3A_310, %div3A_286 : vector<128xi1>, vector<128xi32>
    %mul3A_312 = arith.constant 128 : i32
    %mul3A_313 = vector.broadcast %mul3A_312 : i32 to vector<128xi32>
    %mul3A_314 = arith.muli %select_n3A_311, %mul3A_313 : vector<128xi32>
    %iota3A_315 = tpu.iota {dimensions = array<i32: 1>} : vector<128x128xi32>
    %iota3A_316 = tpu.iota {dimensions = array<i32: 0>} : vector<128x128xi32>
    %lt3A_317 = arith.cmpi slt, %iota3A_315, %iota3A_316 : vector<128x128xi32>
    %broadcast_in_dim3A_318 = vector.shape_cast %mul3A_314 : vector<128xi32> to vector<1x128xi32>
    %jit3A_319 = arith.constant 0 : i32
    %broadcast_in_dim3A_320 = vector.shape_cast %broadcast_in_dim3A_318 : vector<1x128xi32> to vector<1x128xi32>
    %broadcast_in_dim3A_321 = vector.broadcast %broadcast_in_dim3A_320 : vector<1x128xi32> to vector<128x128xi32>
    %broadcast_in_dim3A_322 = vector.broadcast %jit3A_319 : i32 to vector<128x128xi32>
    %select_n3A_323 = arith.select %lt3A_317, %broadcast_in_dim3A_321, %broadcast_in_dim3A_322 : vector<128x128xi1>, vector<128x128xi32>
    %reduce_sum3A_324 = arith.constant dense<0> : vector<128xi32>
    %reduce_sum3A_325 = vector.multi_reduction <add>, %select_n3A_323, %reduce_sum3A_324 [1] : vector<128x128xi32> to vector<128xi32>
    %iota3A_326 = tpu.iota {dimensions = array<i32: 1>} : vector<2048x128xi32>
    %broadcast_in_dim3A_327 = vector.shape_cast %reduce_min3A_27 : vector<2048xi32> to vector<2048x1xi32>
    %eq3A_328 = vector.broadcast %broadcast_in_dim3A_327 : vector<2048x1xi32> to vector<2048x128xi32>
    %eq3A_329 = arith.cmpi eq, %eq3A_328, %iota3A_326 : vector<2048x128xi32>
    %broadcast_in_dim3A_330 = vector.shape_cast %reduce_sum3A_325 : vector<128xi32> to vector<1x128xi32>
    %jit3A_331 = arith.constant 0 : i32
    %broadcast_in_dim3A_332 = vector.shape_cast %broadcast_in_dim3A_330 : vector<1x128xi32> to vector<1x128xi32>
    %broadcast_in_dim3A_333 = vector.broadcast %broadcast_in_dim3A_332 : vector<1x128xi32> to vector<2048x128xi32>
    %broadcast_in_dim3A_334 = vector.broadcast %jit3A_331 : i32 to vector<2048x128xi32>
    %select_n3A_335 = arith.select %eq3A_329, %broadcast_in_dim3A_333, %broadcast_in_dim3A_334 : vector<2048x128xi1>, vector<2048x128xi32>
    %reduce_sum3A_336 = arith.constant dense<0> : vector<2048xi32>
    %reduce_sum3A_337 = vector.multi_reduction <add>, %select_n3A_335, %reduce_sum3A_336 [1] : vector<2048x128xi32> to vector<2048xi32>
    %add3A_338 = arith.addi %reduce_sum3A_337, %concatenate3A : vector<2048xi32>
    %iota3A_339 = tpu.iota {dimensions = array<i32: 1>} : vector<128x32xi32>
    %mul3A_340 = arith.constant 128 : i32
    %mul3A_341 = vector.broadcast %mul3A_340 : i32 to vector<128x32xi32>
    %mul3A_342 = arith.muli %iota3A_339, %mul3A_341 : vector<128x32xi32>
    %slice3A_343 = vector.extract_strided_slice %reduce_sum3A_325 {offsets = [0], sizes = [16], strides = [1]} : vector<128xi32> to vector<16xi32>
    %broadcast_in_dim3A_344 = vector.shape_cast %slice3A_343 : vector<16xi32> to vector<16x1xi32>
    %slice3A_345 = vector.extract_strided_slice %mul3A_342 {offsets = [0, 0], sizes = [16, 32], strides = [1, 1]} : vector<128x32xi32> to vector<16x32xi32>
    %le3A = vector.broadcast %broadcast_in_dim3A_344 : vector<16x1xi32> to vector<16x32xi32>
    %le3A_346 = arith.cmpi sle, %le3A, %slice3A_345 : vector<16x32xi32>
    %jit3A_347 = arith.constant 1 : i32
    %jit3A_348 = arith.constant 0 : i32
    %broadcast_in_dim3A_349 = vector.broadcast %jit3A_347 : i32 to vector<16x32xi32>
    %broadcast_in_dim3A_350 = vector.broadcast %jit3A_348 : i32 to vector<16x32xi32>
    %select_n3A_351 = arith.select %le3A_346, %broadcast_in_dim3A_349, %broadcast_in_dim3A_350 : vector<16x32xi1>, vector<16x32xi32>
    %reduce_sum3A_352 = arith.constant dense<0> : vector<32xi32>
    %reduce_sum3A_353 = vector.multi_reduction <add>, %select_n3A_351, %reduce_sum3A_352 [0] : vector<16x32xi32> to vector<32xi32>
    %sub3A_354 = arith.constant 1 : i32
    %sub3A_355 = vector.broadcast %sub3A_354 : i32 to vector<32xi32>
    %sub3A_356 = arith.subi %reduce_sum3A_353, %sub3A_355 : vector<32xi32>
    %min3A = arith.constant 15 : i32
    %min3A_357 = vector.broadcast %min3A : i32 to vector<32xi32>
    %min3A_358 = arith.minsi %sub3A_356, %min3A_357 : vector<32xi32>
    %iota3A_359 = tpu.iota {dimensions = array<i32: 0>} : vector<2048x1024xi32>
    %iota3A_360 = tpu.iota {dimensions = array<i32: 1>} : vector<2048x1024xi32>
    %add3A_361 = arith.constant 0 : i32
    %add3A_362 = vector.broadcast %add3A_361 : i32 to vector<2048x1024xi32>
    %add3A_363 = arith.addi %iota3A_360, %add3A_362 : vector<2048x1024xi32>
    %broadcast_in_dim3A_364 = vector.shape_cast %add3A_338 : vector<2048xi32> to vector<2048x1xi32>
    %eq3A_365 = vector.broadcast %broadcast_in_dim3A_364 : vector<2048x1xi32> to vector<2048x1024xi32>
    %eq3A_366 = arith.cmpi eq, %eq3A_365, %add3A_363 : vector<2048x1024xi32>
    %convert_element_type3A_367 = arith.extui %eq3A_366 : vector<2048x1024xi1> to vector<2048x1024xi32>
    %reduce_sum3A_368 = arith.constant dense<0> : vector<1024xi32>
    %reduce_sum3A_369 = vector.multi_reduction <add>, %convert_element_type3A_367, %reduce_sum3A_368 [0] : vector<2048x1024xi32> to vector<1024xi32>
    %iota3A_370 = tpu.iota {dimensions = array<i32: 1>} : vector<1x1024xi32>
    %iota3A_371 = vector.shape_cast %iota3A_370 : vector<1x1024xi32> to vector<1024xi32>
    %add3A_372 = arith.constant 0 : i32
    %add3A_373 = vector.broadcast %add3A_372 : i32 to vector<1024xi32>
    %add3A_374 = arith.addi %iota3A_371, %add3A_373 : vector<1024xi32>
    %jit3A_375 = arith.constant 2048 : i32
    %eq3A_376 = arith.constant 0 : i32
    %eq3A_377 = arith.cmpi eq, %jit3A_375, %eq3A_376 : i32
    %jit3A_378 = arith.constant 1 : i32
    %select_n3A_379 = arith.select %eq3A_377, %jit3A_378, %jit3A_375 : i32
    %rem3A_380 = vector.broadcast %select_n3A_379 : i32 to vector<1024xi32>
    %rem3A_381 = arith.remsi %add3A_374, %rem3A_380 : vector<1024xi32>
    %ne3A_382 = arith.constant 0 : i32
    %ne3A_383 = vector.broadcast %ne3A_382 : i32 to vector<1024xi32>
    %ne3A_384 = arith.cmpi ne, %rem3A_381, %ne3A_383 : vector<1024xi32>
    %lt3A_385 = arith.constant 0 : i32
    %lt3A_386 = vector.broadcast %lt3A_385 : i32 to vector<1024xi32>
    %lt3A_387 = arith.cmpi slt, %rem3A_381, %lt3A_386 : vector<1024xi32>
    %lt3A_388 = arith.constant 0 : i32
    %lt3A_389 = arith.cmpi slt, %select_n3A_379, %lt3A_388 : i32
    %ne3A_390 = vector.broadcast %lt3A_389 : i1 to vector<1024xi1>
    %ne3A_391 = vector.broadcast %ne3A_390 : vector<1024xi1> to vector<1024xi1>
    %ne3A_392 = arith.xori %lt3A_387, %ne3A_391 : vector<1024xi1>
    %and3A_393 = arith.andi %ne3A_392, %ne3A_384 : vector<1024xi1>
    %add3A_394 = vector.broadcast %select_n3A_379 : i32 to vector<1024xi32>
    %add3A_395 = arith.addi %rem3A_381, %add3A_394 : vector<1024xi32>
    %select_n3A_396 = arith.select %and3A_393, %add3A_395, %rem3A_381 : vector<1024xi1>, vector<1024xi32>
    %gt3A_397 = arith.constant 0 : i32
    %gt3A_398 = vector.broadcast %gt3A_397 : i32 to vector<1024xi32>
    %gt3A_399 = arith.cmpi sgt, %reduce_sum3A_369, %gt3A_398 : vector<1024xi32>
    %jit3A_400 = arith.constant 0 : i32
    %broadcast_in_dim3A_401 = vector.broadcast %jit3A_400 : i32 to vector<2048x1024xi32>
    %select_n3A_402 = arith.select %eq3A_366, %iota3A_359, %broadcast_in_dim3A_401 : vector<2048x1024xi1>, vector<2048x1024xi32>
    %reduce_sum3A_403 = arith.constant dense<0> : vector<1024xi32>
    %reduce_sum3A_404 = vector.multi_reduction <add>, %select_n3A_402, %reduce_sum3A_403 [0] : vector<2048x1024xi32> to vector<1024xi32>
    %select_n3A_405 = arith.select %gt3A_399, %reduce_sum3A_404, %select_n3A_396 : vector<1024xi1>, vector<1024xi32>
    %broadcast_in_dim3A_406 = vector.shape_cast %reduce_max3A_29 : vector<2048xf32> to vector<2048x1xf32>
    %jit3A_407 = arith.constant 0.000000e+00 : f32
    %broadcast_in_dim3A_408 = vector.shape_cast %broadcast_in_dim3A_406 : vector<2048x1xf32> to vector<2048x1xf32>
    %broadcast_in_dim3A_409 = vector.broadcast %broadcast_in_dim3A_408 : vector<2048x1xf32> to vector<2048x1024xf32>
    %broadcast_in_dim3A_410 = vector.broadcast %jit3A_407 : f32 to vector<2048x1024xf32>
    %select_n3A_411 = arith.select %eq3A_366, %broadcast_in_dim3A_409, %broadcast_in_dim3A_410 : vector<2048x1024xi1>, vector<2048x1024xf32>
    %reduce_sum3A_412 = arith.constant dense<0.000000e+00> : vector<1024xf32>
    %reduce_sum3A_413 = vector.multi_reduction <add>, %select_n3A_411, %reduce_sum3A_412 [0] : vector<2048x1024xf32> to vector<1024xf32>
    %slice3A_414 = vector.extract_strided_slice %select_n3A_405 {offsets = [0], sizes = [128], strides = [1]} : vector<1024xi32> to vector<128xi32>
    %swap3A = arith.constant 0 : index
    %swap3A_415 = arith.constant 0 : index
    %swap3A_416 = vector.load %arg4[%swap3A, %swap3A_415] : memref<32x128xi32, #tpu.memory_space<vmem>>, vector<1x128xi32>
    %swap3A_417 = vector.shape_cast %swap3A_416 : vector<1x128xi32> to vector<128xi32>
    %swap3A_418 = vector.shape_cast %slice3A_414 : vector<128xi32> to vector<1x128xi32>
    tpu.vector_store %arg4[%swap3A, %swap3A_415], %swap3A_418 {strides = array<i32>} : memref<32x128xi32, #tpu.memory_space<vmem>>, vector<1x128xi32>,
    %slice3A_419 = vector.extract_strided_slice %reduce_sum3A_413 {offsets = [0], sizes = [128], strides = [1]} : vector<1024xf32> to vector<128xf32>
    %swap3A_420 = arith.constant 0 : index
    %swap3A_421 = arith.constant 0 : index
    %swap3A_422 = vector.load %arg5[%swap3A_420, %swap3A_421] : memref<32x128xf32, #tpu.memory_space<vmem>>, vector<1x128xf32>
    %swap3A_423 = vector.shape_cast %swap3A_422 : vector<1x128xf32> to vector<128xf32>
    %swap3A_424 = vector.shape_cast %slice3A_419 : vector<128xf32> to vector<1x128xf32>
    tpu.vector_store %arg5[%swap3A_420, %swap3A_421], %swap3A_424 {strides = array<i32>} : memref<32x128xf32, #tpu.memory_space<vmem>>, vector<1x128xf32>,
    %slice3A_425 = vector.extract_strided_slice %select_n3A_405 {offsets = [128], sizes = [128], strides = [1]} : vector<1024xi32> to vector<128xi32>
    %swap3A_426 = arith.constant 1 : index
    %swap3A_427 = arith.constant 0 : index
    %swap3A_428 = vector.load %arg4[%swap3A_426, %swap3A_427] : memref<32x128xi32, #tpu.memory_space<vmem>>, vector<1x128xi32>
    %swap3A_429 = vector.shape_cast %swap3A_428 : vector<1x128xi32> to vector<128xi32>
    %swap3A_430 = vector.shape_cast %slice3A_425 : vector<128xi32> to vector<1x128xi32>
    tpu.vector_store %arg4[%swap3A_426, %swap3A_427], %swap3A_430 {strides = array<i32>} : memref<32x128xi32, #tpu.memory_space<vmem>>, vector<1x128xi32>,
    %slice3A_431 = vector.extract_strided_slice %reduce_sum3A_413 {offsets = [128], sizes = [128], strides = [1]} : vector<1024xf32> to vector<128xf32>
    %swap3A_432 = arith.constant 1 : index
    %swap3A_433 = arith.constant 0 : index
    %swap3A_434 = vector.load %arg5[%swap3A_432, %swap3A_433] : memref<32x128xf32, #tpu.memory_space<vmem>>, vector<1x128xf32>
    %swap3A_435 = vector.shape_cast %swap3A_434 : vector<1x128xf32> to vector<128xf32>
    %swap3A_436 = vector.shape_cast %slice3A_431 : vector<128xf32> to vector<1x128xf32>
    tpu.vector_store %arg5[%swap3A_432, %swap3A_433], %swap3A_436 {strides = array<i32>} : memref<32x128xf32, #tpu.memory_space<vmem>>, vector<1x128xf32>,
    %slice3A_437 = vector.extract_strided_slice %select_n3A_405 {offsets = [256], sizes = [128], strides = [1]} : vector<1024xi32> to vector<128xi32>
    %swap3A_438 = arith.constant 2 : index
    %swap3A_439 = arith.constant 0 : index
    %swap3A_440 = vector.load %arg4[%swap3A_438, %swap3A_439] : memref<32x128xi32, #tpu.memory_space<vmem>>, vector<1x128xi32>
    %swap3A_441 = vector.shape_cast %swap3A_440 : vector<1x128xi32> to vector<128xi32>
    %swap3A_442 = vector.shape_cast %slice3A_437 : vector<128xi32> to vector<1x128xi32>
    tpu.vector_store %arg4[%swap3A_438, %swap3A_439], %swap3A_442 {strides = array<i32>} : memref<32x128xi32, #tpu.memory_space<vmem>>, vector<1x128xi32>,
    %slice3A_443 = vector.extract_strided_slice %reduce_sum3A_413 {offsets = [256], sizes = [128], strides = [1]} : vector<1024xf32> to vector<128xf32>
    %swap3A_444 = arith.constant 2 : index
    %swap3A_445 = arith.constant 0 : index
    %swap3A_446 = vector.load %arg5[%swap3A_444, %swap3A_445] : memref<32x128xf32, #tpu.memory_space<vmem>>, vector<1x128xf32>
    %swap3A_447 = vector.shape_cast %swap3A_446 : vector<1x128xf32> to vector<128xf32>
    %swap3A_448 = vector.shape_cast %slice3A_443 : vector<128xf32> to vector<1x128xf32>
    tpu.vector_store %arg5[%swap3A_444, %swap3A_445], %swap3A_448 {strides = array<i32>} : memref<32x128xf32, #tpu.memory_space<vmem>>, vector<1x128xf32>,
    %slice3A_449 = vector.extract_strided_slice %select_n3A_405 {offsets = [384], sizes = [128], strides = [1]} : vector<1024xi32> to vector<128xi32>
    %swap3A_450 = arith.constant 3 : index
    %swap3A_451 = arith.constant 0 : index
    %swap3A_452 = vector.load %arg4[%swap3A_450, %swap3A_451] : memref<32x128xi32, #tpu.memory_space<vmem>>, vector<1x128xi32>
    %swap3A_453 = vector.shape_cast %swap3A_452 : vector<1x128xi32> to vector<128xi32>
    %swap3A_454 = vector.shape_cast %slice3A_449 : vector<128xi32> to vector<1x128xi32>
    tpu.vector_store %arg4[%swap3A_450, %swap3A_451], %swap3A_454 {strides = array<i32>} : memref<32x128xi32, #tpu.memory_space<vmem>>, vector<1x128xi32>,
    %slice3A_455 = vector.extract_strided_slice %reduce_sum3A_413 {offsets = [384], sizes = [128], strides = [1]} : vector<1024xf32> to vector<128xf32>
    %swap3A_456 = arith.constant 3 : index
    %swap3A_457 = arith.constant 0 : index
    %swap3A_458 = vector.load %arg5[%swap3A_456, %swap3A_457] : memref<32x128xf32, #tpu.memory_space<vmem>>, vector<1x128xf32>
    %swap3A_459 = vector.shape_cast %swap3A_458 : vector<1x128xf32> to vector<128xf32>
    %swap3A_460 = vector.shape_cast %slice3A_455 : vector<128xf32> to vector<1x128xf32>
    tpu.vector_store %arg5[%swap3A_456, %swap3A_457], %swap3A_460 {strides = array<i32>} : memref<32x128xf32, #tpu.memory_space<vmem>>, vector<1x128xf32>,
    %slice3A_461 = vector.extract_strided_slice %select_n3A_405 {offsets = [512], sizes = [128], strides = [1]} : vector<1024xi32> to vector<128xi32>
    %swap3A_462 = arith.constant 4 : index
    %swap3A_463 = arith.constant 0 : index
    %swap3A_464 = vector.load %arg4[%swap3A_462, %swap3A_463] : memref<32x128xi32, #tpu.memory_space<vmem>>, vector<1x128xi32>
    %swap3A_465 = vector.shape_cast %swap3A_464 : vector<1x128xi32> to vector<128xi32>
    %swap3A_466 = vector.shape_cast %slice3A_461 : vector<128xi32> to vector<1x128xi32>
    tpu.vector_store %arg4[%swap3A_462, %swap3A_463], %swap3A_466 {strides = array<i32>} : memref<32x128xi32, #tpu.memory_space<vmem>>, vector<1x128xi32>,
    %slice3A_467 = vector.extract_strided_slice %reduce_sum3A_413 {offsets = [512], sizes = [128], strides = [1]} : vector<1024xf32> to vector<128xf32>
    %swap3A_468 = arith.constant 4 : index
    %swap3A_469 = arith.constant 0 : index
    %swap3A_470 = vector.load %arg5[%swap3A_468, %swap3A_469] : memref<32x128xf32, #tpu.memory_space<vmem>>, vector<1x128xf32>
    %swap3A_471 = vector.shape_cast %swap3A_470 : vector<1x128xf32> to vector<128xf32>
    %swap3A_472 = vector.shape_cast %slice3A_467 : vector<128xf32> to vector<1x128xf32>
    tpu.vector_store %arg5[%swap3A_468, %swap3A_469], %swap3A_472 {strides = array<i32>} : memref<32x128xf32, #tpu.memory_space<vmem>>, vector<1x128xf32>,
    %slice3A_473 = vector.extract_strided_slice %select_n3A_405 {offsets = [640], sizes = [128], strides = [1]} : vector<1024xi32> to vector<128xi32>
    %swap3A_474 = arith.constant 5 : index
    %swap3A_475 = arith.constant 0 : index
    %swap3A_476 = vector.load %arg4[%swap3A_474, %swap3A_475] : memref<32x128xi32, #tpu.memory_space<vmem>>, vector<1x128xi32>
    %swap3A_477 = vector.shape_cast %swap3A_476 : vector<1x128xi32> to vector<128xi32>
    %swap3A_478 = vector.shape_cast %slice3A_473 : vector<128xi32> to vector<1x128xi32>
    tpu.vector_store %arg4[%swap3A_474, %swap3A_475], %swap3A_478 {strides = array<i32>} : memref<32x128xi32, #tpu.memory_space<vmem>>, vector<1x128xi32>,
    %slice3A_479 = vector.extract_strided_slice %reduce_sum3A_413 {offsets = [640], sizes = [128], strides = [1]} : vector<1024xf32> to vector<128xf32>
    %swap3A_480 = arith.constant 5 : index
    %swap3A_481 = arith.constant 0 : index
    %swap3A_482 = vector.load %arg5[%swap3A_480, %swap3A_481] : memref<32x128xf32, #tpu.memory_space<vmem>>, vector<1x128xf32>
    %swap3A_483 = vector.shape_cast %swap3A_482 : vector<1x128xf32> to vector<128xf32>
    %swap3A_484 = vector.shape_cast %slice3A_479 : vector<128xf32> to vector<1x128xf32>
    tpu.vector_store %arg5[%swap3A_480, %swap3A_481], %swap3A_484 {strides = array<i32>} : memref<32x128xf32, #tpu.memory_space<vmem>>, vector<1x128xf32>,
    %slice3A_485 = vector.extract_strided_slice %select_n3A_405 {offsets = [768], sizes = [128], strides = [1]} : vector<1024xi32> to vector<128xi32>
    %swap3A_486 = arith.constant 6 : index
    %swap3A_487 = arith.constant 0 : index
    %swap3A_488 = vector.load %arg4[%swap3A_486, %swap3A_487] : memref<32x128xi32, #tpu.memory_space<vmem>>, vector<1x128xi32>
    %swap3A_489 = vector.shape_cast %swap3A_488 : vector<1x128xi32> to vector<128xi32>
    %swap3A_490 = vector.shape_cast %slice3A_485 : vector<128xi32> to vector<1x128xi32>
    tpu.vector_store %arg4[%swap3A_486, %swap3A_487], %swap3A_490 {strides = array<i32>} : memref<32x128xi32, #tpu.memory_space<vmem>>, vector<1x128xi32>,
    %slice3A_491 = vector.extract_strided_slice %reduce_sum3A_413 {offsets = [768], sizes = [128], strides = [1]} : vector<1024xf32> to vector<128xf32>
    %swap3A_492 = arith.constant 6 : index
    %swap3A_493 = arith.constant 0 : index
    %swap3A_494 = vector.load %arg5[%swap3A_492, %swap3A_493] : memref<32x128xf32, #tpu.memory_space<vmem>>, vector<1x128xf32>
    %swap3A_495 = vector.shape_cast %swap3A_494 : vector<1x128xf32> to vector<128xf32>
    %swap3A_496 = vector.shape_cast %slice3A_491 : vector<128xf32> to vector<1x128xf32>
    tpu.vector_store %arg5[%swap3A_492, %swap3A_493], %swap3A_496 {strides = array<i32>} : memref<32x128xf32, #tpu.memory_space<vmem>>, vector<1x128xf32>,
    %slice3A_497 = vector.extract_strided_slice %select_n3A_405 {offsets = [896], sizes = [128], strides = [1]} : vector<1024xi32> to vector<128xi32>
    %swap3A_498 = arith.constant 7 : index
    %swap3A_499 = arith.constant 0 : index
    %swap3A_500 = vector.load %arg4[%swap3A_498, %swap3A_499] : memref<32x128xi32, #tpu.memory_space<vmem>>, vector<1x128xi32>
    %swap3A_501 = vector.shape_cast %swap3A_500 : vector<1x128xi32> to vector<128xi32>
    %swap3A_502 = vector.shape_cast %slice3A_497 : vector<128xi32> to vector<1x128xi32>
    tpu.vector_store %arg4[%swap3A_498, %swap3A_499], %swap3A_502 {strides = array<i32>} : memref<32x128xi32, #tpu.memory_space<vmem>>, vector<1x128xi32>,
    %slice3A_503 = vector.extract_strided_slice %reduce_sum3A_413 {offsets = [896], sizes = [128], strides = [1]} : vector<1024xf32> to vector<128xf32>
    %swap3A_504 = arith.constant 7 : index
    %swap3A_505 = arith.constant 0 : index
    %swap3A_506 = vector.load %arg5[%swap3A_504, %swap3A_505] : memref<32x128xf32, #tpu.memory_space<vmem>>, vector<1x128xf32>
    %swap3A_507 = vector.shape_cast %swap3A_506 : vector<1x128xf32> to vector<128xf32>
    %swap3A_508 = vector.shape_cast %slice3A_503 : vector<128xf32> to vector<1x128xf32>
    tpu.vector_store %arg5[%swap3A_504, %swap3A_505], %swap3A_508 {strides = array<i32>} : memref<32x128xf32, #tpu.memory_space<vmem>>, vector<1x128xf32>,
    %iota3A_509 = tpu.iota {dimensions = array<i32: 1>} : vector<2048x1024xi32>
    %add3A_510 = arith.constant 1024 : i32
    %add3A_511 = vector.broadcast %add3A_510 : i32 to vector<2048x1024xi32>
    %add3A_512 = arith.addi %iota3A_509, %add3A_511 : vector<2048x1024xi32>
    %broadcast_in_dim3A_513 = vector.shape_cast %add3A_338 : vector<2048xi32> to vector<2048x1xi32>
    %eq3A_514 = vector.broadcast %broadcast_in_dim3A_513 : vector<2048x1xi32> to vector<2048x1024xi32>
    %eq3A_515 = arith.cmpi eq, %eq3A_514, %add3A_512 : vector<2048x1024xi32>
    %convert_element_type3A_516 = arith.extui %eq3A_515 : vector<2048x1024xi1> to vector<2048x1024xi32>
    %reduce_sum3A_517 = arith.constant dense<0> : vector<1024xi32>
    %reduce_sum3A_518 = vector.multi_reduction <add>, %convert_element_type3A_516, %reduce_sum3A_517 [0] : vector<2048x1024xi32> to vector<1024xi32>
    %iota3A_519 = tpu.iota {dimensions = array<i32: 1>} : vector<1x1024xi32>
    %iota3A_520 = vector.shape_cast %iota3A_519 : vector<1x1024xi32> to vector<1024xi32>
    %add3A_521 = arith.constant 1024 : i32
    %add3A_522 = vector.broadcast %add3A_521 : i32 to vector<1024xi32>
    %add3A_523 = arith.addi %iota3A_520, %add3A_522 : vector<1024xi32>
    %jit3A_524 = arith.constant 2048 : i32
    %eq3A_525 = arith.constant 0 : i32
    %eq3A_526 = arith.cmpi eq, %jit3A_524, %eq3A_525 : i32
    %jit3A_527 = arith.constant 1 : i32
    %select_n3A_528 = arith.select %eq3A_526, %jit3A_527, %jit3A_524 : i32
    %rem3A_529 = vector.broadcast %select_n3A_528 : i32 to vector<1024xi32>
    %rem3A_530 = arith.remsi %add3A_523, %rem3A_529 : vector<1024xi32>
    %ne3A_531 = arith.constant 0 : i32
    %ne3A_532 = vector.broadcast %ne3A_531 : i32 to vector<1024xi32>
    %ne3A_533 = arith.cmpi ne, %rem3A_530, %ne3A_532 : vector<1024xi32>
    %lt3A_534 = arith.constant 0 : i32
    %lt3A_535 = vector.broadcast %lt3A_534 : i32 to vector<1024xi32>
    %lt3A_536 = arith.cmpi slt, %rem3A_530, %lt3A_535 : vector<1024xi32>
    %lt3A_537 = arith.constant 0 : i32
    %lt3A_538 = arith.cmpi slt, %select_n3A_528, %lt3A_537 : i32
    %ne3A_539 = vector.broadcast %lt3A_538 : i1 to vector<1024xi1>
    %ne3A_540 = vector.broadcast %ne3A_539 : vector<1024xi1> to vector<1024xi1>
    %ne3A_541 = arith.xori %lt3A_536, %ne3A_540 : vector<1024xi1>
    %and3A_542 = arith.andi %ne3A_541, %ne3A_533 : vector<1024xi1>
    %add3A_543 = vector.broadcast %select_n3A_528 : i32 to vector<1024xi32>
    %add3A_544 = arith.addi %rem3A_530, %add3A_543 : vector<1024xi32>
    %select_n3A_545 = arith.select %and3A_542, %add3A_544, %rem3A_530 : vector<1024xi1>, vector<1024xi32>
    %gt3A_546 = arith.constant 0 : i32
    %gt3A_547 = vector.broadcast %gt3A_546 : i32 to vector<1024xi32>
    %gt3A_548 = arith.cmpi sgt, %reduce_sum3A_518, %gt3A_547 : vector<1024xi32>
    %jit3A_549 = arith.constant 0 : i32
    %broadcast_in_dim3A_550 = vector.broadcast %jit3A_549 : i32 to vector<2048x1024xi32>
    %select_n3A_551 = arith.select %eq3A_515, %iota3A_359, %broadcast_in_dim3A_550 : vector<2048x1024xi1>, vector<2048x1024xi32>
    %reduce_sum3A_552 = arith.constant dense<0> : vector<1024xi32>
    %reduce_sum3A_553 = vector.multi_reduction <add>, %select_n3A_551, %reduce_sum3A_552 [0] : vector<2048x1024xi32> to vector<1024xi32>
    %select_n3A_554 = arith.select %gt3A_548, %reduce_sum3A_553, %select_n3A_545 : vector<1024xi1>, vector<1024xi32>
    %broadcast_in_dim3A_555 = vector.shape_cast %reduce_max3A_29 : vector<2048xf32> to vector<2048x1xf32>
    %jit3A_556 = arith.constant 0.000000e+00 : f32
    %broadcast_in_dim3A_557 = vector.shape_cast %broadcast_in_dim3A_555 : vector<2048x1xf32> to vector<2048x1xf32>
    %broadcast_in_dim3A_558 = vector.broadcast %broadcast_in_dim3A_557 : vector<2048x1xf32> to vector<2048x1024xf32>
    %broadcast_in_dim3A_559 = vector.broadcast %jit3A_556 : f32 to vector<2048x1024xf32>
    %select_n3A_560 = arith.select %eq3A_515, %broadcast_in_dim3A_558, %broadcast_in_dim3A_559 : vector<2048x1024xi1>, vector<2048x1024xf32>
    %reduce_sum3A_561 = arith.constant dense<0.000000e+00> : vector<1024xf32>
    %reduce_sum3A_562 = vector.multi_reduction <add>, %select_n3A_560, %reduce_sum3A_561 [0] : vector<2048x1024xf32> to vector<1024xf32>
    %slice3A_563 = vector.extract_strided_slice %select_n3A_554 {offsets = [0], sizes = [128], strides = [1]} : vector<1024xi32> to vector<128xi32>
    %swap3A_564 = arith.constant 8 : index
    %swap3A_565 = arith.constant 0 : index
    %swap3A_566 = vector.load %arg4[%swap3A_564, %swap3A_565] : memref<32x128xi32, #tpu.memory_space<vmem>>, vector<1x128xi32>
    %swap3A_567 = vector.shape_cast %swap3A_566 : vector<1x128xi32> to vector<128xi32>
    %swap3A_568 = vector.shape_cast %slice3A_563 : vector<128xi32> to vector<1x128xi32>
    tpu.vector_store %arg4[%swap3A_564, %swap3A_565], %swap3A_568 {strides = array<i32>} : memref<32x128xi32, #tpu.memory_space<vmem>>, vector<1x128xi32>,
    %slice3A_569 = vector.extract_strided_slice %reduce_sum3A_562 {offsets = [0], sizes = [128], strides = [1]} : vector<1024xf32> to vector<128xf32>
    %swap3A_570 = arith.constant 8 : index
    %swap3A_571 = arith.constant 0 : index
    %swap3A_572 = vector.load %arg5[%swap3A_570, %swap3A_571] : memref<32x128xf32, #tpu.memory_space<vmem>>, vector<1x128xf32>
    %swap3A_573 = vector.shape_cast %swap3A_572 : vector<1x128xf32> to vector<128xf32>
    %swap3A_574 = vector.shape_cast %slice3A_569 : vector<128xf32> to vector<1x128xf32>
    tpu.vector_store %arg5[%swap3A_570, %swap3A_571], %swap3A_574 {strides = array<i32>} : memref<32x128xf32, #tpu.memory_space<vmem>>, vector<1x128xf32>,
    %slice3A_575 = vector.extract_strided_slice %select_n3A_554 {offsets = [128], sizes = [128], strides = [1]} : vector<1024xi32> to vector<128xi32>
    %swap3A_576 = arith.constant 9 : index
    %swap3A_577 = arith.constant 0 : index
    %swap3A_578 = vector.load %arg4[%swap3A_576, %swap3A_577] : memref<32x128xi32, #tpu.memory_space<vmem>>, vector<1x128xi32>
    %swap3A_579 = vector.shape_cast %swap3A_578 : vector<1x128xi32> to vector<128xi32>
    %swap3A_580 = vector.shape_cast %slice3A_575 : vector<128xi32> to vector<1x128xi32>
    tpu.vector_store %arg4[%swap3A_576, %swap3A_577], %swap3A_580 {strides = array<i32>} : memref<32x128xi32, #tpu.memory_space<vmem>>, vector<1x128xi32>,
    %slice3A_581 = vector.extract_strided_slice %reduce_sum3A_562 {offsets = [128], sizes = [128], strides = [1]} : vector<1024xf32> to vector<128xf32>
    %swap3A_582 = arith.constant 9 : index
    %swap3A_583 = arith.constant 0 : index
    %swap3A_584 = vector.load %arg5[%swap3A_582, %swap3A_583] : memref<32x128xf32, #tpu.memory_space<vmem>>, vector<1x128xf32>
    %swap3A_585 = vector.shape_cast %swap3A_584 : vector<1x128xf32> to vector<128xf32>
    %swap3A_586 = vector.shape_cast %slice3A_581 : vector<128xf32> to vector<1x128xf32>
    tpu.vector_store %arg5[%swap3A_582, %swap3A_583], %swap3A_586 {strides = array<i32>} : memref<32x128xf32, #tpu.memory_space<vmem>>, vector<1x128xf32>,
    %slice3A_587 = vector.extract_strided_slice %select_n3A_554 {offsets = [256], sizes = [128], strides = [1]} : vector<1024xi32> to vector<128xi32>
    %swap3A_588 = arith.constant 10 : index
    %swap3A_589 = arith.constant 0 : index
    %swap3A_590 = vector.load %arg4[%swap3A_588, %swap3A_589] : memref<32x128xi32, #tpu.memory_space<vmem>>, vector<1x128xi32>
    %swap3A_591 = vector.shape_cast %swap3A_590 : vector<1x128xi32> to vector<128xi32>
    %swap3A_592 = vector.shape_cast %slice3A_587 : vector<128xi32> to vector<1x128xi32>
    tpu.vector_store %arg4[%swap3A_588, %swap3A_589], %swap3A_592 {strides = array<i32>} : memref<32x128xi32, #tpu.memory_space<vmem>>, vector<1x128xi32>,
    %slice3A_593 = vector.extract_strided_slice %reduce_sum3A_562 {offsets = [256], sizes = [128], strides = [1]} : vector<1024xf32> to vector<128xf32>
    %swap3A_594 = arith.constant 10 : index
    %swap3A_595 = arith.constant 0 : index
    %swap3A_596 = vector.load %arg5[%swap3A_594, %swap3A_595] : memref<32x128xf32, #tpu.memory_space<vmem>>, vector<1x128xf32>
    %swap3A_597 = vector.shape_cast %swap3A_596 : vector<1x128xf32> to vector<128xf32>
    %swap3A_598 = vector.shape_cast %slice3A_593 : vector<128xf32> to vector<1x128xf32>
    tpu.vector_store %arg5[%swap3A_594, %swap3A_595], %swap3A_598 {strides = array<i32>} : memref<32x128xf32, #tpu.memory_space<vmem>>, vector<1x128xf32>,
    %slice3A_599 = vector.extract_strided_slice %select_n3A_554 {offsets = [384], sizes = [128], strides = [1]} : vector<1024xi32> to vector<128xi32>
    %swap3A_600 = arith.constant 11 : index
    %swap3A_601 = arith.constant 0 : index
    %swap3A_602 = vector.load %arg4[%swap3A_600, %swap3A_601] : memref<32x128xi32, #tpu.memory_space<vmem>>, vector<1x128xi32>
    %swap3A_603 = vector.shape_cast %swap3A_602 : vector<1x128xi32> to vector<128xi32>
    %swap3A_604 = vector.shape_cast %slice3A_599 : vector<128xi32> to vector<1x128xi32>
    tpu.vector_store %arg4[%swap3A_600, %swap3A_601], %swap3A_604 {strides = array<i32>} : memref<32x128xi32, #tpu.memory_space<vmem>>, vector<1x128xi32>,
    %slice3A_605 = vector.extract_strided_slice %reduce_sum3A_562 {offsets = [384], sizes = [128], strides = [1]} : vector<1024xf32> to vector<128xf32>
    %swap3A_606 = arith.constant 11 : index
    %swap3A_607 = arith.constant 0 : index
    %swap3A_608 = vector.load %arg5[%swap3A_606, %swap3A_607] : memref<32x128xf32, #tpu.memory_space<vmem>>, vector<1x128xf32>
    %swap3A_609 = vector.shape_cast %swap3A_608 : vector<1x128xf32> to vector<128xf32>
    %swap3A_610 = vector.shape_cast %slice3A_605 : vector<128xf32> to vector<1x128xf32>
    tpu.vector_store %arg5[%swap3A_606, %swap3A_607], %swap3A_610 {strides = array<i32>} : memref<32x128xf32, #tpu.memory_space<vmem>>, vector<1x128xf32>,
    %slice3A_611 = vector.extract_strided_slice %select_n3A_554 {offsets = [512], sizes = [128], strides = [1]} : vector<1024xi32> to vector<128xi32>
    %swap3A_612 = arith.constant 12 : index
    %swap3A_613 = arith.constant 0 : index
    %swap3A_614 = vector.load %arg4[%swap3A_612, %swap3A_613] : memref<32x128xi32, #tpu.memory_space<vmem>>, vector<1x128xi32>
    %swap3A_615 = vector.shape_cast %swap3A_614 : vector<1x128xi32> to vector<128xi32>
    %swap3A_616 = vector.shape_cast %slice3A_611 : vector<128xi32> to vector<1x128xi32>
    tpu.vector_store %arg4[%swap3A_612, %swap3A_613], %swap3A_616 {strides = array<i32>} : memref<32x128xi32, #tpu.memory_space<vmem>>, vector<1x128xi32>,
    %slice3A_617 = vector.extract_strided_slice %reduce_sum3A_562 {offsets = [512], sizes = [128], strides = [1]} : vector<1024xf32> to vector<128xf32>
    %swap3A_618 = arith.constant 12 : index
    %swap3A_619 = arith.constant 0 : index
    %swap3A_620 = vector.load %arg5[%swap3A_618, %swap3A_619] : memref<32x128xf32, #tpu.memory_space<vmem>>, vector<1x128xf32>
    %swap3A_621 = vector.shape_cast %swap3A_620 : vector<1x128xf32> to vector<128xf32>
    %swap3A_622 = vector.shape_cast %slice3A_617 : vector<128xf32> to vector<1x128xf32>
    tpu.vector_store %arg5[%swap3A_618, %swap3A_619], %swap3A_622 {strides = array<i32>} : memref<32x128xf32, #tpu.memory_space<vmem>>, vector<1x128xf32>,
    %slice3A_623 = vector.extract_strided_slice %select_n3A_554 {offsets = [640], sizes = [128], strides = [1]} : vector<1024xi32> to vector<128xi32>
    %swap3A_624 = arith.constant 13 : index
    %swap3A_625 = arith.constant 0 : index
    %swap3A_626 = vector.load %arg4[%swap3A_624, %swap3A_625] : memref<32x128xi32, #tpu.memory_space<vmem>>, vector<1x128xi32>
    %swap3A_627 = vector.shape_cast %swap3A_626 : vector<1x128xi32> to vector<128xi32>
    %swap3A_628 = vector.shape_cast %slice3A_623 : vector<128xi32> to vector<1x128xi32>
    tpu.vector_store %arg4[%swap3A_624, %swap3A_625], %swap3A_628 {strides = array<i32>} : memref<32x128xi32, #tpu.memory_space<vmem>>, vector<1x128xi32>,
    %slice3A_629 = vector.extract_strided_slice %reduce_sum3A_562 {offsets = [640], sizes = [128], strides = [1]} : vector<1024xf32> to vector<128xf32>
    %swap3A_630 = arith.constant 13 : index
    %swap3A_631 = arith.constant 0 : index
    %swap3A_632 = vector.load %arg5[%swap3A_630, %swap3A_631] : memref<32x128xf32, #tpu.memory_space<vmem>>, vector<1x128xf32>
    %swap3A_633 = vector.shape_cast %swap3A_632 : vector<1x128xf32> to vector<128xf32>
    %swap3A_634 = vector.shape_cast %slice3A_629 : vector<128xf32> to vector<1x128xf32>
    tpu.vector_store %arg5[%swap3A_630, %swap3A_631], %swap3A_634 {strides = array<i32>} : memref<32x128xf32, #tpu.memory_space<vmem>>, vector<1x128xf32>,
    %slice3A_635 = vector.extract_strided_slice %select_n3A_554 {offsets = [768], sizes = [128], strides = [1]} : vector<1024xi32> to vector<128xi32>
    %swap3A_636 = arith.constant 14 : index
    %swap3A_637 = arith.constant 0 : index
    %swap3A_638 = vector.load %arg4[%swap3A_636, %swap3A_637] : memref<32x128xi32, #tpu.memory_space<vmem>>, vector<1x128xi32>
    %swap3A_639 = vector.shape_cast %swap3A_638 : vector<1x128xi32> to vector<128xi32>
    %swap3A_640 = vector.shape_cast %slice3A_635 : vector<128xi32> to vector<1x128xi32>
    tpu.vector_store %arg4[%swap3A_636, %swap3A_637], %swap3A_640 {strides = array<i32>} : memref<32x128xi32, #tpu.memory_space<vmem>>, vector<1x128xi32>,
    %slice3A_641 = vector.extract_strided_slice %reduce_sum3A_562 {offsets = [768], sizes = [128], strides = [1]} : vector<1024xf32> to vector<128xf32>
    %swap3A_642 = arith.constant 14 : index
    %swap3A_643 = arith.constant 0 : index
    %swap3A_644 = vector.load %arg5[%swap3A_642, %swap3A_643] : memref<32x128xf32, #tpu.memory_space<vmem>>, vector<1x128xf32>
    %swap3A_645 = vector.shape_cast %swap3A_644 : vector<1x128xf32> to vector<128xf32>
    %swap3A_646 = vector.shape_cast %slice3A_641 : vector<128xf32> to vector<1x128xf32>
    tpu.vector_store %arg5[%swap3A_642, %swap3A_643], %swap3A_646 {strides = array<i32>} : memref<32x128xf32, #tpu.memory_space<vmem>>, vector<1x128xf32>,
    %slice3A_647 = vector.extract_strided_slice %select_n3A_554 {offsets = [896], sizes = [128], strides = [1]} : vector<1024xi32> to vector<128xi32>
    %swap3A_648 = arith.constant 15 : index
    %swap3A_649 = arith.constant 0 : index
    %swap3A_650 = vector.load %arg4[%swap3A_648, %swap3A_649] : memref<32x128xi32, #tpu.memory_space<vmem>>, vector<1x128xi32>
    %swap3A_651 = vector.shape_cast %swap3A_650 : vector<1x128xi32> to vector<128xi32>
    %swap3A_652 = vector.shape_cast %slice3A_647 : vector<128xi32> to vector<1x128xi32>
    tpu.vector_store %arg4[%swap3A_648, %swap3A_649], %swap3A_652 {strides = array<i32>} : memref<32x128xi32, #tpu.memory_space<vmem>>, vector<1x128xi32>,
    %slice3A_653 = vector.extract_strided_slice %reduce_sum3A_562 {offsets = [896], sizes = [128], strides = [1]} : vector<1024xf32> to vector<128xf32>
    %swap3A_654 = arith.constant 15 : index
    %swap3A_655 = arith.constant 0 : index
    %swap3A_656 = vector.load %arg5[%swap3A_654, %swap3A_655] : memref<32x128xf32, #tpu.memory_space<vmem>>, vector<1x128xf32>
    %swap3A_657 = vector.shape_cast %swap3A_656 : vector<1x128xf32> to vector<128xf32>
    %swap3A_658 = vector.shape_cast %slice3A_653 : vector<128xf32> to vector<1x128xf32>
    tpu.vector_store %arg5[%swap3A_654, %swap3A_655], %swap3A_658 {strides = array<i32>} : memref<32x128xf32, #tpu.memory_space<vmem>>, vector<1x128xf32>,
    %iota3A_659 = tpu.iota {dimensions = array<i32: 1>} : vector<2048x1024xi32>
    %add3A_660 = arith.constant 2048 : i32
    %add3A_661 = vector.broadcast %add3A_660 : i32 to vector<2048x1024xi32>
    %add3A_662 = arith.addi %iota3A_659, %add3A_661 : vector<2048x1024xi32>
    %broadcast_in_dim3A_663 = vector.shape_cast %add3A_338 : vector<2048xi32> to vector<2048x1xi32>
    %eq3A_664 = vector.broadcast %broadcast_in_dim3A_663 : vector<2048x1xi32> to vector<2048x1024xi32>
    %eq3A_665 = arith.cmpi eq, %eq3A_664, %add3A_662 : vector<2048x1024xi32>
    %convert_element_type3A_666 = arith.extui %eq3A_665 : vector<2048x1024xi1> to vector<2048x1024xi32>
    %reduce_sum3A_667 = arith.constant dense<0> : vector<1024xi32>
    %reduce_sum3A_668 = vector.multi_reduction <add>, %convert_element_type3A_666, %reduce_sum3A_667 [0] : vector<2048x1024xi32> to vector<1024xi32>
    %iota3A_669 = tpu.iota {dimensions = array<i32: 1>} : vector<1x1024xi32>
    %iota3A_670 = vector.shape_cast %iota3A_669 : vector<1x1024xi32> to vector<1024xi32>
    %add3A_671 = arith.constant 2048 : i32
    %add3A_672 = vector.broadcast %add3A_671 : i32 to vector<1024xi32>
    %add3A_673 = arith.addi %iota3A_670, %add3A_672 : vector<1024xi32>
    %jit3A_674 = arith.constant 2048 : i32
    %eq3A_675 = arith.constant 0 : i32
    %eq3A_676 = arith.cmpi eq, %jit3A_674, %eq3A_675 : i32
    %jit3A_677 = arith.constant 1 : i32
    %select_n3A_678 = arith.select %eq3A_676, %jit3A_677, %jit3A_674 : i32
    %rem3A_679 = vector.broadcast %select_n3A_678 : i32 to vector<1024xi32>
    %rem3A_680 = arith.remsi %add3A_673, %rem3A_679 : vector<1024xi32>
    %ne3A_681 = arith.constant 0 : i32
    %ne3A_682 = vector.broadcast %ne3A_681 : i32 to vector<1024xi32>
    %ne3A_683 = arith.cmpi ne, %rem3A_680, %ne3A_682 : vector<1024xi32>
    %lt3A_684 = arith.constant 0 : i32
    %lt3A_685 = vector.broadcast %lt3A_684 : i32 to vector<1024xi32>
    %lt3A_686 = arith.cmpi slt, %rem3A_680, %lt3A_685 : vector<1024xi32>
    %lt3A_687 = arith.constant 0 : i32
    %lt3A_688 = arith.cmpi slt, %select_n3A_678, %lt3A_687 : i32
    %ne3A_689 = vector.broadcast %lt3A_688 : i1 to vector<1024xi1>
    %ne3A_690 = vector.broadcast %ne3A_689 : vector<1024xi1> to vector<1024xi1>
    %ne3A_691 = arith.xori %lt3A_686, %ne3A_690 : vector<1024xi1>
    %and3A_692 = arith.andi %ne3A_691, %ne3A_683 : vector<1024xi1>
    %add3A_693 = vector.broadcast %select_n3A_678 : i32 to vector<1024xi32>
    %add3A_694 = arith.addi %rem3A_680, %add3A_693 : vector<1024xi32>
    %select_n3A_695 = arith.select %and3A_692, %add3A_694, %rem3A_680 : vector<1024xi1>, vector<1024xi32>
    %gt3A_696 = arith.constant 0 : i32
    %gt3A_697 = vector.broadcast %gt3A_696 : i32 to vector<1024xi32>
    %gt3A_698 = arith.cmpi sgt, %reduce_sum3A_668, %gt3A_697 : vector<1024xi32>
    %jit3A_699 = arith.constant 0 : i32
    %broadcast_in_dim3A_700 = vector.broadcast %jit3A_699 : i32 to vector<2048x1024xi32>
    %select_n3A_701 = arith.select %eq3A_665, %iota3A_359, %broadcast_in_dim3A_700 : vector<2048x1024xi1>, vector<2048x1024xi32>
    %reduce_sum3A_702 = arith.constant dense<0> : vector<1024xi32>
    %reduce_sum3A_703 = vector.multi_reduction <add>, %select_n3A_701, %reduce_sum3A_702 [0] : vector<2048x1024xi32> to vector<1024xi32>
    %select_n3A_704 = arith.select %gt3A_698, %reduce_sum3A_703, %select_n3A_695 : vector<1024xi1>, vector<1024xi32>
    %broadcast_in_dim3A_705 = vector.shape_cast %reduce_max3A_29 : vector<2048xf32> to vector<2048x1xf32>
    %jit3A_706 = arith.constant 0.000000e+00 : f32
    %broadcast_in_dim3A_707 = vector.shape_cast %broadcast_in_dim3A_705 : vector<2048x1xf32> to vector<2048x1xf32>
    %broadcast_in_dim3A_708 = vector.broadcast %broadcast_in_dim3A_707 : vector<2048x1xf32> to vector<2048x1024xf32>
    %broadcast_in_dim3A_709 = vector.broadcast %jit3A_706 : f32 to vector<2048x1024xf32>
    %select_n3A_710 = arith.select %eq3A_665, %broadcast_in_dim3A_708, %broadcast_in_dim3A_709 : vector<2048x1024xi1>, vector<2048x1024xf32>
    %reduce_sum3A_711 = arith.constant dense<0.000000e+00> : vector<1024xf32>
    %reduce_sum3A_712 = vector.multi_reduction <add>, %select_n3A_710, %reduce_sum3A_711 [0] : vector<2048x1024xf32> to vector<1024xf32>
    %slice3A_713 = vector.extract_strided_slice %select_n3A_704 {offsets = [0], sizes = [128], strides = [1]} : vector<1024xi32> to vector<128xi32>
    %swap3A_714 = arith.constant 16 : index
    %swap3A_715 = arith.constant 0 : index
    %swap3A_716 = vector.load %arg4[%swap3A_714, %swap3A_715] : memref<32x128xi32, #tpu.memory_space<vmem>>, vector<1x128xi32>
    %swap3A_717 = vector.shape_cast %swap3A_716 : vector<1x128xi32> to vector<128xi32>
    %swap3A_718 = vector.shape_cast %slice3A_713 : vector<128xi32> to vector<1x128xi32>
    tpu.vector_store %arg4[%swap3A_714, %swap3A_715], %swap3A_718 {strides = array<i32>} : memref<32x128xi32, #tpu.memory_space<vmem>>, vector<1x128xi32>,
    %slice3A_719 = vector.extract_strided_slice %reduce_sum3A_712 {offsets = [0], sizes = [128], strides = [1]} : vector<1024xf32> to vector<128xf32>
    %swap3A_720 = arith.constant 16 : index
    %swap3A_721 = arith.constant 0 : index
    %swap3A_722 = vector.load %arg5[%swap3A_720, %swap3A_721] : memref<32x128xf32, #tpu.memory_space<vmem>>, vector<1x128xf32>
    %swap3A_723 = vector.shape_cast %swap3A_722 : vector<1x128xf32> to vector<128xf32>
    %swap3A_724 = vector.shape_cast %slice3A_719 : vector<128xf32> to vector<1x128xf32>
    tpu.vector_store %arg5[%swap3A_720, %swap3A_721], %swap3A_724 {strides = array<i32>} : memref<32x128xf32, #tpu.memory_space<vmem>>, vector<1x128xf32>,
    %slice3A_725 = vector.extract_strided_slice %select_n3A_704 {offsets = [128], sizes = [128], strides = [1]} : vector<1024xi32> to vector<128xi32>
    %swap3A_726 = arith.constant 17 : index
    %swap3A_727 = arith.constant 0 : index
    %swap3A_728 = vector.load %arg4[%swap3A_726, %swap3A_727] : memref<32x128xi32, #tpu.memory_space<vmem>>, vector<1x128xi32>
    %swap3A_729 = vector.shape_cast %swap3A_728 : vector<1x128xi32> to vector<128xi32>
    %swap3A_730 = vector.shape_cast %slice3A_725 : vector<128xi32> to vector<1x128xi32>
    tpu.vector_store %arg4[%swap3A_726, %swap3A_727], %swap3A_730 {strides = array<i32>} : memref<32x128xi32, #tpu.memory_space<vmem>>, vector<1x128xi32>,
    %slice3A_731 = vector.extract_strided_slice %reduce_sum3A_712 {offsets = [128], sizes = [128], strides = [1]} : vector<1024xf32> to vector<128xf32>
    %swap3A_732 = arith.constant 17 : index
    %swap3A_733 = arith.constant 0 : index
    %swap3A_734 = vector.load %arg5[%swap3A_732, %swap3A_733] : memref<32x128xf32, #tpu.memory_space<vmem>>, vector<1x128xf32>
    %swap3A_735 = vector.shape_cast %swap3A_734 : vector<1x128xf32> to vector<128xf32>
    %swap3A_736 = vector.shape_cast %slice3A_731 : vector<128xf32> to vector<1x128xf32>
    tpu.vector_store %arg5[%swap3A_732, %swap3A_733], %swap3A_736 {strides = array<i32>} : memref<32x128xf32, #tpu.memory_space<vmem>>, vector<1x128xf32>,
    %slice3A_737 = vector.extract_strided_slice %select_n3A_704 {offsets = [256], sizes = [128], strides = [1]} : vector<1024xi32> to vector<128xi32>
    %swap3A_738 = arith.constant 18 : index
    %swap3A_739 = arith.constant 0 : index
    %swap3A_740 = vector.load %arg4[%swap3A_738, %swap3A_739] : memref<32x128xi32, #tpu.memory_space<vmem>>, vector<1x128xi32>
    %swap3A_741 = vector.shape_cast %swap3A_740 : vector<1x128xi32> to vector<128xi32>
    %swap3A_742 = vector.shape_cast %slice3A_737 : vector<128xi32> to vector<1x128xi32>
    tpu.vector_store %arg4[%swap3A_738, %swap3A_739], %swap3A_742 {strides = array<i32>} : memref<32x128xi32, #tpu.memory_space<vmem>>, vector<1x128xi32>,
    %slice3A_743 = vector.extract_strided_slice %reduce_sum3A_712 {offsets = [256], sizes = [128], strides = [1]} : vector<1024xf32> to vector<128xf32>
    %swap3A_744 = arith.constant 18 : index
    %swap3A_745 = arith.constant 0 : index
    %swap3A_746 = vector.load %arg5[%swap3A_744, %swap3A_745] : memref<32x128xf32, #tpu.memory_space<vmem>>, vector<1x128xf32>
    %swap3A_747 = vector.shape_cast %swap3A_746 : vector<1x128xf32> to vector<128xf32>
    %swap3A_748 = vector.shape_cast %slice3A_743 : vector<128xf32> to vector<1x128xf32>
    tpu.vector_store %arg5[%swap3A_744, %swap3A_745], %swap3A_748 {strides = array<i32>} : memref<32x128xf32, #tpu.memory_space<vmem>>, vector<1x128xf32>,
    %slice3A_749 = vector.extract_strided_slice %select_n3A_704 {offsets = [384], sizes = [128], strides = [1]} : vector<1024xi32> to vector<128xi32>
    %swap3A_750 = arith.constant 19 : index
    %swap3A_751 = arith.constant 0 : index
    %swap3A_752 = vector.load %arg4[%swap3A_750, %swap3A_751] : memref<32x128xi32, #tpu.memory_space<vmem>>, vector<1x128xi32>
    %swap3A_753 = vector.shape_cast %swap3A_752 : vector<1x128xi32> to vector<128xi32>
    %swap3A_754 = vector.shape_cast %slice3A_749 : vector<128xi32> to vector<1x128xi32>
    tpu.vector_store %arg4[%swap3A_750, %swap3A_751], %swap3A_754 {strides = array<i32>} : memref<32x128xi32, #tpu.memory_space<vmem>>, vector<1x128xi32>,
    %slice3A_755 = vector.extract_strided_slice %reduce_sum3A_712 {offsets = [384], sizes = [128], strides = [1]} : vector<1024xf32> to vector<128xf32>
    %swap3A_756 = arith.constant 19 : index
    %swap3A_757 = arith.constant 0 : index
    %swap3A_758 = vector.load %arg5[%swap3A_756, %swap3A_757] : memref<32x128xf32, #tpu.memory_space<vmem>>, vector<1x128xf32>
    %swap3A_759 = vector.shape_cast %swap3A_758 : vector<1x128xf32> to vector<128xf32>
    %swap3A_760 = vector.shape_cast %slice3A_755 : vector<128xf32> to vector<1x128xf32>
    tpu.vector_store %arg5[%swap3A_756, %swap3A_757], %swap3A_760 {strides = array<i32>} : memref<32x128xf32, #tpu.memory_space<vmem>>, vector<1x128xf32>,
    %slice3A_761 = vector.extract_strided_slice %select_n3A_704 {offsets = [512], sizes = [128], strides = [1]} : vector<1024xi32> to vector<128xi32>
    %swap3A_762 = arith.constant 20 : index
    %swap3A_763 = arith.constant 0 : index
    %swap3A_764 = vector.load %arg4[%swap3A_762, %swap3A_763] : memref<32x128xi32, #tpu.memory_space<vmem>>, vector<1x128xi32>
    %swap3A_765 = vector.shape_cast %swap3A_764 : vector<1x128xi32> to vector<128xi32>
    %swap3A_766 = vector.shape_cast %slice3A_761 : vector<128xi32> to vector<1x128xi32>
    tpu.vector_store %arg4[%swap3A_762, %swap3A_763], %swap3A_766 {strides = array<i32>} : memref<32x128xi32, #tpu.memory_space<vmem>>, vector<1x128xi32>,
    %slice3A_767 = vector.extract_strided_slice %reduce_sum3A_712 {offsets = [512], sizes = [128], strides = [1]} : vector<1024xf32> to vector<128xf32>
    %swap3A_768 = arith.constant 20 : index
    %swap3A_769 = arith.constant 0 : index
    %swap3A_770 = vector.load %arg5[%swap3A_768, %swap3A_769] : memref<32x128xf32, #tpu.memory_space<vmem>>, vector<1x128xf32>
    %swap3A_771 = vector.shape_cast %swap3A_770 : vector<1x128xf32> to vector<128xf32>
    %swap3A_772 = vector.shape_cast %slice3A_767 : vector<128xf32> to vector<1x128xf32>
    tpu.vector_store %arg5[%swap3A_768, %swap3A_769], %swap3A_772 {strides = array<i32>} : memref<32x128xf32, #tpu.memory_space<vmem>>, vector<1x128xf32>,
    %slice3A_773 = vector.extract_strided_slice %select_n3A_704 {offsets = [640], sizes = [128], strides = [1]} : vector<1024xi32> to vector<128xi32>
    %swap3A_774 = arith.constant 21 : index
    %swap3A_775 = arith.constant 0 : index
    %swap3A_776 = vector.load %arg4[%swap3A_774, %swap3A_775] : memref<32x128xi32, #tpu.memory_space<vmem>>, vector<1x128xi32>
    %swap3A_777 = vector.shape_cast %swap3A_776 : vector<1x128xi32> to vector<128xi32>
    %swap3A_778 = vector.shape_cast %slice3A_773 : vector<128xi32> to vector<1x128xi32>
    tpu.vector_store %arg4[%swap3A_774, %swap3A_775], %swap3A_778 {strides = array<i32>} : memref<32x128xi32, #tpu.memory_space<vmem>>, vector<1x128xi32>,
    %slice3A_779 = vector.extract_strided_slice %reduce_sum3A_712 {offsets = [640], sizes = [128], strides = [1]} : vector<1024xf32> to vector<128xf32>
    %swap3A_780 = arith.constant 21 : index
    %swap3A_781 = arith.constant 0 : index
    %swap3A_782 = vector.load %arg5[%swap3A_780, %swap3A_781] : memref<32x128xf32, #tpu.memory_space<vmem>>, vector<1x128xf32>
    %swap3A_783 = vector.shape_cast %swap3A_782 : vector<1x128xf32> to vector<128xf32>
    %swap3A_784 = vector.shape_cast %slice3A_779 : vector<128xf32> to vector<1x128xf32>
    tpu.vector_store %arg5[%swap3A_780, %swap3A_781], %swap3A_784 {strides = array<i32>} : memref<32x128xf32, #tpu.memory_space<vmem>>, vector<1x128xf32>,
    %slice3A_785 = vector.extract_strided_slice %select_n3A_704 {offsets = [768], sizes = [128], strides = [1]} : vector<1024xi32> to vector<128xi32>
    %swap3A_786 = arith.constant 22 : index
    %swap3A_787 = arith.constant 0 : index
    %swap3A_788 = vector.load %arg4[%swap3A_786, %swap3A_787] : memref<32x128xi32, #tpu.memory_space<vmem>>, vector<1x128xi32>
    %swap3A_789 = vector.shape_cast %swap3A_788 : vector<1x128xi32> to vector<128xi32>
    %swap3A_790 = vector.shape_cast %slice3A_785 : vector<128xi32> to vector<1x128xi32>
    tpu.vector_store %arg4[%swap3A_786, %swap3A_787], %swap3A_790 {strides = array<i32>} : memref<32x128xi32, #tpu.memory_space<vmem>>, vector<1x128xi32>,
    %slice3A_791 = vector.extract_strided_slice %reduce_sum3A_712 {offsets = [768], sizes = [128], strides = [1]} : vector<1024xf32> to vector<128xf32>
    %swap3A_792 = arith.constant 22 : index
    %swap3A_793 = arith.constant 0 : index
    %swap3A_794 = vector.load %arg5[%swap3A_792, %swap3A_793] : memref<32x128xf32, #tpu.memory_space<vmem>>, vector<1x128xf32>
    %swap3A_795 = vector.shape_cast %swap3A_794 : vector<1x128xf32> to vector<128xf32>
    %swap3A_796 = vector.shape_cast %slice3A_791 : vector<128xf32> to vector<1x128xf32>
    tpu.vector_store %arg5[%swap3A_792, %swap3A_793], %swap3A_796 {strides = array<i32>} : memref<32x128xf32, #tpu.memory_space<vmem>>, vector<1x128xf32>,
    %slice3A_797 = vector.extract_strided_slice %select_n3A_704 {offsets = [896], sizes = [128], strides = [1]} : vector<1024xi32> to vector<128xi32>
    %swap3A_798 = arith.constant 23 : index
    %swap3A_799 = arith.constant 0 : index
    %swap3A_800 = vector.load %arg4[%swap3A_798, %swap3A_799] : memref<32x128xi32, #tpu.memory_space<vmem>>, vector<1x128xi32>
    %swap3A_801 = vector.shape_cast %swap3A_800 : vector<1x128xi32> to vector<128xi32>
    %swap3A_802 = vector.shape_cast %slice3A_797 : vector<128xi32> to vector<1x128xi32>
    tpu.vector_store %arg4[%swap3A_798, %swap3A_799], %swap3A_802 {strides = array<i32>} : memref<32x128xi32, #tpu.memory_space<vmem>>, vector<1x128xi32>,
    %slice3A_803 = vector.extract_strided_slice %reduce_sum3A_712 {offsets = [896], sizes = [128], strides = [1]} : vector<1024xf32> to vector<128xf32>
    %swap3A_804 = arith.constant 23 : index
    %swap3A_805 = arith.constant 0 : index
    %swap3A_806 = vector.load %arg5[%swap3A_804, %swap3A_805] : memref<32x128xf32, #tpu.memory_space<vmem>>, vector<1x128xf32>
    %swap3A_807 = vector.shape_cast %swap3A_806 : vector<1x128xf32> to vector<128xf32>
    %swap3A_808 = vector.shape_cast %slice3A_803 : vector<128xf32> to vector<1x128xf32>
    tpu.vector_store %arg5[%swap3A_804, %swap3A_805], %swap3A_808 {strides = array<i32>} : memref<32x128xf32, #tpu.memory_space<vmem>>, vector<1x128xf32>,
    %iota3A_809 = tpu.iota {dimensions = array<i32: 1>} : vector<2048x1024xi32>
    %add3A_810 = arith.constant 3072 : i32
    %add3A_811 = vector.broadcast %add3A_810 : i32 to vector<2048x1024xi32>
    %add3A_812 = arith.addi %iota3A_809, %add3A_811 : vector<2048x1024xi32>
    %broadcast_in_dim3A_813 = vector.shape_cast %add3A_338 : vector<2048xi32> to vector<2048x1xi32>
    %eq3A_814 = vector.broadcast %broadcast_in_dim3A_813 : vector<2048x1xi32> to vector<2048x1024xi32>
    %eq3A_815 = arith.cmpi eq, %eq3A_814, %add3A_812 : vector<2048x1024xi32>
    %convert_element_type3A_816 = arith.extui %eq3A_815 : vector<2048x1024xi1> to vector<2048x1024xi32>
    %reduce_sum3A_817 = arith.constant dense<0> : vector<1024xi32>
    %reduce_sum3A_818 = vector.multi_reduction <add>, %convert_element_type3A_816, %reduce_sum3A_817 [0] : vector<2048x1024xi32> to vector<1024xi32>
    %iota3A_819 = tpu.iota {dimensions = array<i32: 1>} : vector<1x1024xi32>
    %iota3A_820 = vector.shape_cast %iota3A_819 : vector<1x1024xi32> to vector<1024xi32>
    %add3A_821 = arith.constant 3072 : i32
    %add3A_822 = vector.broadcast %add3A_821 : i32 to vector<1024xi32>
    %add3A_823 = arith.addi %iota3A_820, %add3A_822 : vector<1024xi32>
    %jit3A_824 = arith.constant 2048 : i32
    %eq3A_825 = arith.constant 0 : i32
    %eq3A_826 = arith.cmpi eq, %jit3A_824, %eq3A_825 : i32
    %jit3A_827 = arith.constant 1 : i32
    %select_n3A_828 = arith.select %eq3A_826, %jit3A_827, %jit3A_824 : i32
    %rem3A_829 = vector.broadcast %select_n3A_828 : i32 to vector<1024xi32>
    %rem3A_830 = arith.remsi %add3A_823, %rem3A_829 : vector<1024xi32>
    %ne3A_831 = arith.constant 0 : i32
    %ne3A_832 = vector.broadcast %ne3A_831 : i32 to vector<1024xi32>
    %ne3A_833 = arith.cmpi ne, %rem3A_830, %ne3A_832 : vector<1024xi32>
    %lt3A_834 = arith.constant 0 : i32
    %lt3A_835 = vector.broadcast %lt3A_834 : i32 to vector<1024xi32>
    %lt3A_836 = arith.cmpi slt, %rem3A_830, %lt3A_835 : vector<1024xi32>
    %lt3A_837 = arith.constant 0 : i32
    %lt3A_838 = arith.cmpi slt, %select_n3A_828, %lt3A_837 : i32
    %ne3A_839 = vector.broadcast %lt3A_838 : i1 to vector<1024xi1>
    %ne3A_840 = vector.broadcast %ne3A_839 : vector<1024xi1> to vector<1024xi1>
    %ne3A_841 = arith.xori %lt3A_836, %ne3A_840 : vector<1024xi1>
    %and3A_842 = arith.andi %ne3A_841, %ne3A_833 : vector<1024xi1>
    %add3A_843 = vector.broadcast %select_n3A_828 : i32 to vector<1024xi32>
    %add3A_844 = arith.addi %rem3A_830, %add3A_843 : vector<1024xi32>
    %select_n3A_845 = arith.select %and3A_842, %add3A_844, %rem3A_830 : vector<1024xi1>, vector<1024xi32>
    %gt3A_846 = arith.constant 0 : i32
    %gt3A_847 = vector.broadcast %gt3A_846 : i32 to vector<1024xi32>
    %gt3A_848 = arith.cmpi sgt, %reduce_sum3A_818, %gt3A_847 : vector<1024xi32>
    %jit3A_849 = arith.constant 0 : i32
    %broadcast_in_dim3A_850 = vector.broadcast %jit3A_849 : i32 to vector<2048x1024xi32>
    %select_n3A_851 = arith.select %eq3A_815, %iota3A_359, %broadcast_in_dim3A_850 : vector<2048x1024xi1>, vector<2048x1024xi32>
    %reduce_sum3A_852 = arith.constant dense<0> : vector<1024xi32>
    %reduce_sum3A_853 = vector.multi_reduction <add>, %select_n3A_851, %reduce_sum3A_852 [0] : vector<2048x1024xi32> to vector<1024xi32>
    %select_n3A_854 = arith.select %gt3A_848, %reduce_sum3A_853, %select_n3A_845 : vector<1024xi1>, vector<1024xi32>
    %broadcast_in_dim3A_855 = vector.shape_cast %reduce_max3A_29 : vector<2048xf32> to vector<2048x1xf32>
    %jit3A_856 = arith.constant 0.000000e+00 : f32
    %broadcast_in_dim3A_857 = vector.shape_cast %broadcast_in_dim3A_855 : vector<2048x1xf32> to vector<2048x1xf32>
    %broadcast_in_dim3A_858 = vector.broadcast %broadcast_in_dim3A_857 : vector<2048x1xf32> to vector<2048x1024xf32>
    %broadcast_in_dim3A_859 = vector.broadcast %jit3A_856 : f32 to vector<2048x1024xf32>
    %select_n3A_860 = arith.select %eq3A_815, %broadcast_in_dim3A_858, %broadcast_in_dim3A_859 : vector<2048x1024xi1>, vector<2048x1024xf32>
    %reduce_sum3A_861 = arith.constant dense<0.000000e+00> : vector<1024xf32>
    %reduce_sum3A_862 = vector.multi_reduction <add>, %select_n3A_860, %reduce_sum3A_861 [0] : vector<2048x1024xf32> to vector<1024xf32>
    %slice3A_863 = vector.extract_strided_slice %select_n3A_854 {offsets = [0], sizes = [128], strides = [1]} : vector<1024xi32> to vector<128xi32>
    %swap3A_864 = arith.constant 24 : index
    %swap3A_865 = arith.constant 0 : index
    %swap3A_866 = vector.load %arg4[%swap3A_864, %swap3A_865] : memref<32x128xi32, #tpu.memory_space<vmem>>, vector<1x128xi32>
    %swap3A_867 = vector.shape_cast %swap3A_866 : vector<1x128xi32> to vector<128xi32>
    %swap3A_868 = vector.shape_cast %slice3A_863 : vector<128xi32> to vector<1x128xi32>
    tpu.vector_store %arg4[%swap3A_864, %swap3A_865], %swap3A_868 {strides = array<i32>} : memref<32x128xi32, #tpu.memory_space<vmem>>, vector<1x128xi32>,
    %slice3A_869 = vector.extract_strided_slice %reduce_sum3A_862 {offsets = [0], sizes = [128], strides = [1]} : vector<1024xf32> to vector<128xf32>
    %swap3A_870 = arith.constant 24 : index
    %swap3A_871 = arith.constant 0 : index
    %swap3A_872 = vector.load %arg5[%swap3A_870, %swap3A_871] : memref<32x128xf32, #tpu.memory_space<vmem>>, vector<1x128xf32>
    %swap3A_873 = vector.shape_cast %swap3A_872 : vector<1x128xf32> to vector<128xf32>
    %swap3A_874 = vector.shape_cast %slice3A_869 : vector<128xf32> to vector<1x128xf32>
    tpu.vector_store %arg5[%swap3A_870, %swap3A_871], %swap3A_874 {strides = array<i32>} : memref<32x128xf32, #tpu.memory_space<vmem>>, vector<1x128xf32>,
    %slice3A_875 = vector.extract_strided_slice %select_n3A_854 {offsets = [128], sizes = [128], strides = [1]} : vector<1024xi32> to vector<128xi32>
    %swap3A_876 = arith.constant 25 : index
    %swap3A_877 = arith.constant 0 : index
    %swap3A_878 = vector.load %arg4[%swap3A_876, %swap3A_877] : memref<32x128xi32, #tpu.memory_space<vmem>>, vector<1x128xi32>
    %swap3A_879 = vector.shape_cast %swap3A_878 : vector<1x128xi32> to vector<128xi32>
    %swap3A_880 = vector.shape_cast %slice3A_875 : vector<128xi32> to vector<1x128xi32>
    tpu.vector_store %arg4[%swap3A_876, %swap3A_877], %swap3A_880 {strides = array<i32>} : memref<32x128xi32, #tpu.memory_space<vmem>>, vector<1x128xi32>,
    %slice3A_881 = vector.extract_strided_slice %reduce_sum3A_862 {offsets = [128], sizes = [128], strides = [1]} : vector<1024xf32> to vector<128xf32>
    %swap3A_882 = arith.constant 25 : index
    %swap3A_883 = arith.constant 0 : index
    %swap3A_884 = vector.load %arg5[%swap3A_882, %swap3A_883] : memref<32x128xf32, #tpu.memory_space<vmem>>, vector<1x128xf32>
    %swap3A_885 = vector.shape_cast %swap3A_884 : vector<1x128xf32> to vector<128xf32>
    %swap3A_886 = vector.shape_cast %slice3A_881 : vector<128xf32> to vector<1x128xf32>
    tpu.vector_store %arg5[%swap3A_882, %swap3A_883], %swap3A_886 {strides = array<i32>} : memref<32x128xf32, #tpu.memory_space<vmem>>, vector<1x128xf32>,
    %slice3A_887 = vector.extract_strided_slice %select_n3A_854 {offsets = [256], sizes = [128], strides = [1]} : vector<1024xi32> to vector<128xi32>
    %swap3A_888 = arith.constant 26 : index
    %swap3A_889 = arith.constant 0 : index
    %swap3A_890 = vector.load %arg4[%swap3A_888, %swap3A_889] : memref<32x128xi32, #tpu.memory_space<vmem>>, vector<1x128xi32>
    %swap3A_891 = vector.shape_cast %swap3A_890 : vector<1x128xi32> to vector<128xi32>
    %swap3A_892 = vector.shape_cast %slice3A_887 : vector<128xi32> to vector<1x128xi32>
    tpu.vector_store %arg4[%swap3A_888, %swap3A_889], %swap3A_892 {strides = array<i32>} : memref<32x128xi32, #tpu.memory_space<vmem>>, vector<1x128xi32>,
    %slice3A_893 = vector.extract_strided_slice %reduce_sum3A_862 {offsets = [256], sizes = [128], strides = [1]} : vector<1024xf32> to vector<128xf32>
    %swap3A_894 = arith.constant 26 : index
    %swap3A_895 = arith.constant 0 : index
    %swap3A_896 = vector.load %arg5[%swap3A_894, %swap3A_895] : memref<32x128xf32, #tpu.memory_space<vmem>>, vector<1x128xf32>
    %swap3A_897 = vector.shape_cast %swap3A_896 : vector<1x128xf32> to vector<128xf32>
    %swap3A_898 = vector.shape_cast %slice3A_893 : vector<128xf32> to vector<1x128xf32>
    tpu.vector_store %arg5[%swap3A_894, %swap3A_895], %swap3A_898 {strides = array<i32>} : memref<32x128xf32, #tpu.memory_space<vmem>>, vector<1x128xf32>,
    %slice3A_899 = vector.extract_strided_slice %select_n3A_854 {offsets = [384], sizes = [128], strides = [1]} : vector<1024xi32> to vector<128xi32>
    %swap3A_900 = arith.constant 27 : index
    %swap3A_901 = arith.constant 0 : index
    %swap3A_902 = vector.load %arg4[%swap3A_900, %swap3A_901] : memref<32x128xi32, #tpu.memory_space<vmem>>, vector<1x128xi32>
    %swap3A_903 = vector.shape_cast %swap3A_902 : vector<1x128xi32> to vector<128xi32>
    %swap3A_904 = vector.shape_cast %slice3A_899 : vector<128xi32> to vector<1x128xi32>
    tpu.vector_store %arg4[%swap3A_900, %swap3A_901], %swap3A_904 {strides = array<i32>} : memref<32x128xi32, #tpu.memory_space<vmem>>, vector<1x128xi32>,
    %slice3A_905 = vector.extract_strided_slice %reduce_sum3A_862 {offsets = [384], sizes = [128], strides = [1]} : vector<1024xf32> to vector<128xf32>
    %swap3A_906 = arith.constant 27 : index
    %swap3A_907 = arith.constant 0 : index
    %swap3A_908 = vector.load %arg5[%swap3A_906, %swap3A_907] : memref<32x128xf32, #tpu.memory_space<vmem>>, vector<1x128xf32>
    %swap3A_909 = vector.shape_cast %swap3A_908 : vector<1x128xf32> to vector<128xf32>
    %swap3A_910 = vector.shape_cast %slice3A_905 : vector<128xf32> to vector<1x128xf32>
    tpu.vector_store %arg5[%swap3A_906, %swap3A_907], %swap3A_910 {strides = array<i32>} : memref<32x128xf32, #tpu.memory_space<vmem>>, vector<1x128xf32>,
    %slice3A_911 = vector.extract_strided_slice %select_n3A_854 {offsets = [512], sizes = [128], strides = [1]} : vector<1024xi32> to vector<128xi32>
    %swap3A_912 = arith.constant 28 : index
    %swap3A_913 = arith.constant 0 : index
    %swap3A_914 = vector.load %arg4[%swap3A_912, %swap3A_913] : memref<32x128xi32, #tpu.memory_space<vmem>>, vector<1x128xi32>
    %swap3A_915 = vector.shape_cast %swap3A_914 : vector<1x128xi32> to vector<128xi32>
    %swap3A_916 = vector.shape_cast %slice3A_911 : vector<128xi32> to vector<1x128xi32>
    tpu.vector_store %arg4[%swap3A_912, %swap3A_913], %swap3A_916 {strides = array<i32>} : memref<32x128xi32, #tpu.memory_space<vmem>>, vector<1x128xi32>,
    %slice3A_917 = vector.extract_strided_slice %reduce_sum3A_862 {offsets = [512], sizes = [128], strides = [1]} : vector<1024xf32> to vector<128xf32>
    %swap3A_918 = arith.constant 28 : index
    %swap3A_919 = arith.constant 0 : index
    %swap3A_920 = vector.load %arg5[%swap3A_918, %swap3A_919] : memref<32x128xf32, #tpu.memory_space<vmem>>, vector<1x128xf32>
    %swap3A_921 = vector.shape_cast %swap3A_920 : vector<1x128xf32> to vector<128xf32>
    %swap3A_922 = vector.shape_cast %slice3A_917 : vector<128xf32> to vector<1x128xf32>
    tpu.vector_store %arg5[%swap3A_918, %swap3A_919], %swap3A_922 {strides = array<i32>} : memref<32x128xf32, #tpu.memory_space<vmem>>, vector<1x128xf32>,
    %slice3A_923 = vector.extract_strided_slice %select_n3A_854 {offsets = [640], sizes = [128], strides = [1]} : vector<1024xi32> to vector<128xi32>
    %swap3A_924 = arith.constant 29 : index
    %swap3A_925 = arith.constant 0 : index
    %swap3A_926 = vector.load %arg4[%swap3A_924, %swap3A_925] : memref<32x128xi32, #tpu.memory_space<vmem>>, vector<1x128xi32>
    %swap3A_927 = vector.shape_cast %swap3A_926 : vector<1x128xi32> to vector<128xi32>
    %swap3A_928 = vector.shape_cast %slice3A_923 : vector<128xi32> to vector<1x128xi32>
    tpu.vector_store %arg4[%swap3A_924, %swap3A_925], %swap3A_928 {strides = array<i32>} : memref<32x128xi32, #tpu.memory_space<vmem>>, vector<1x128xi32>,
    %slice3A_929 = vector.extract_strided_slice %reduce_sum3A_862 {offsets = [640], sizes = [128], strides = [1]} : vector<1024xf32> to vector<128xf32>
    %swap3A_930 = arith.constant 29 : index
    %swap3A_931 = arith.constant 0 : index
    %swap3A_932 = vector.load %arg5[%swap3A_930, %swap3A_931] : memref<32x128xf32, #tpu.memory_space<vmem>>, vector<1x128xf32>
    %swap3A_933 = vector.shape_cast %swap3A_932 : vector<1x128xf32> to vector<128xf32>
    %swap3A_934 = vector.shape_cast %slice3A_929 : vector<128xf32> to vector<1x128xf32>
    tpu.vector_store %arg5[%swap3A_930, %swap3A_931], %swap3A_934 {strides = array<i32>} : memref<32x128xf32, #tpu.memory_space<vmem>>, vector<1x128xf32>,
    %slice3A_935 = vector.extract_strided_slice %select_n3A_854 {offsets = [768], sizes = [128], strides = [1]} : vector<1024xi32> to vector<128xi32>
    %swap3A_936 = arith.constant 30 : index
    %swap3A_937 = arith.constant 0 : index
    %swap3A_938 = vector.load %arg4[%swap3A_936, %swap3A_937] : memref<32x128xi32, #tpu.memory_space<vmem>>, vector<1x128xi32>
    %swap3A_939 = vector.shape_cast %swap3A_938 : vector<1x128xi32> to vector<128xi32>
    %swap3A_940 = vector.shape_cast %slice3A_935 : vector<128xi32> to vector<1x128xi32>
    tpu.vector_store %arg4[%swap3A_936, %swap3A_937], %swap3A_940 {strides = array<i32>} : memref<32x128xi32, #tpu.memory_space<vmem>>, vector<1x128xi32>,
    %slice3A_941 = vector.extract_strided_slice %reduce_sum3A_862 {offsets = [768], sizes = [128], strides = [1]} : vector<1024xf32> to vector<128xf32>
    %swap3A_942 = arith.constant 30 : index
    %swap3A_943 = arith.constant 0 : index
    %swap3A_944 = vector.load %arg5[%swap3A_942, %swap3A_943] : memref<32x128xf32, #tpu.memory_space<vmem>>, vector<1x128xf32>
    %swap3A_945 = vector.shape_cast %swap3A_944 : vector<1x128xf32> to vector<128xf32>
    %swap3A_946 = vector.shape_cast %slice3A_941 : vector<128xf32> to vector<1x128xf32>
    tpu.vector_store %arg5[%swap3A_942, %swap3A_943], %swap3A_946 {strides = array<i32>} : memref<32x128xf32, #tpu.memory_space<vmem>>, vector<1x128xf32>,
    %slice3A_947 = vector.extract_strided_slice %select_n3A_854 {offsets = [896], sizes = [128], strides = [1]} : vector<1024xi32> to vector<128xi32>
    %swap3A_948 = arith.constant 31 : index
    %swap3A_949 = arith.constant 0 : index
    %swap3A_950 = vector.load %arg4[%swap3A_948, %swap3A_949] : memref<32x128xi32, #tpu.memory_space<vmem>>, vector<1x128xi32>
    %swap3A_951 = vector.shape_cast %swap3A_950 : vector<1x128xi32> to vector<128xi32>
    %swap3A_952 = vector.shape_cast %slice3A_947 : vector<128xi32> to vector<1x128xi32>
    tpu.vector_store %arg4[%swap3A_948, %swap3A_949], %swap3A_952 {strides = array<i32>} : memref<32x128xi32, #tpu.memory_space<vmem>>, vector<1x128xi32>,
    %slice3A_953 = vector.extract_strided_slice %reduce_sum3A_862 {offsets = [896], sizes = [128], strides = [1]} : vector<1024xf32> to vector<128xf32>
    %swap3A_954 = arith.constant 31 : index
    %swap3A_955 = arith.constant 0 : index
    %swap3A_956 = vector.load %arg5[%swap3A_954, %swap3A_955] : memref<32x128xf32, #tpu.memory_space<vmem>>, vector<1x128xf32>
    %swap3A_957 = vector.shape_cast %swap3A_956 : vector<1x128xf32> to vector<128xf32>
    %swap3A_958 = vector.shape_cast %slice3A_953 : vector<128xf32> to vector<1x128xf32>
    tpu.vector_store %arg5[%swap3A_954, %swap3A_955], %swap3A_958 {strides = array<i32>} : memref<32x128xf32, #tpu.memory_space<vmem>>, vector<1x128xf32>,
    %slice3A_959 = vector.extract_strided_slice %add3A_338 {offsets = [0], sizes = [128], strides = [1]} : vector<2048xi32> to vector<128xi32>
    %swap3A_960 = arith.constant 0 : index
    %swap3A_961 = arith.constant 0 : index
    %swap3A_962 = vector.load %arg3[%swap3A_960, %swap3A_961] : memref<16x128xi32, #tpu.memory_space<vmem>>, vector<1x128xi32>
    %swap3A_963 = vector.shape_cast %swap3A_962 : vector<1x128xi32> to vector<128xi32>
    %swap3A_964 = vector.shape_cast %slice3A_959 : vector<128xi32> to vector<1x128xi32>
    tpu.vector_store %arg3[%swap3A_960, %swap3A_961], %swap3A_964 {strides = array<i32>} : memref<16x128xi32, #tpu.memory_space<vmem>>, vector<1x128xi32>,
    %slice3A_965 = vector.extract_strided_slice %add3A_338 {offsets = [128], sizes = [128], strides = [1]} : vector<2048xi32> to vector<128xi32>
    %swap3A_966 = arith.constant 1 : index
    %swap3A_967 = arith.constant 0 : index
    %swap3A_968 = vector.load %arg3[%swap3A_966, %swap3A_967] : memref<16x128xi32, #tpu.memory_space<vmem>>, vector<1x128xi32>
    %swap3A_969 = vector.shape_cast %swap3A_968 : vector<1x128xi32> to vector<128xi32>
    %swap3A_970 = vector.shape_cast %slice3A_965 : vector<128xi32> to vector<1x128xi32>
    tpu.vector_store %arg3[%swap3A_966, %swap3A_967], %swap3A_970 {strides = array<i32>} : memref<16x128xi32, #tpu.memory_space<vmem>>, vector<1x128xi32>,
    %slice3A_971 = vector.extract_strided_slice %add3A_338 {offsets = [256], sizes = [128], strides = [1]} : vector<2048xi32> to vector<128xi32>
    %swap3A_972 = arith.constant 2 : index
    %swap3A_973 = arith.constant 0 : index
    %swap3A_974 = vector.load %arg3[%swap3A_972, %swap3A_973] : memref<16x128xi32, #tpu.memory_space<vmem>>, vector<1x128xi32>
    %swap3A_975 = vector.shape_cast %swap3A_974 : vector<1x128xi32> to vector<128xi32>
    %swap3A_976 = vector.shape_cast %slice3A_971 : vector<128xi32> to vector<1x128xi32>
    tpu.vector_store %arg3[%swap3A_972, %swap3A_973], %swap3A_976 {strides = array<i32>} : memref<16x128xi32, #tpu.memory_space<vmem>>, vector<1x128xi32>,
    %slice3A_977 = vector.extract_strided_slice %add3A_338 {offsets = [384], sizes = [128], strides = [1]} : vector<2048xi32> to vector<128xi32>
    %swap3A_978 = arith.constant 3 : index
    %swap3A_979 = arith.constant 0 : index
    %swap3A_980 = vector.load %arg3[%swap3A_978, %swap3A_979] : memref<16x128xi32, #tpu.memory_space<vmem>>, vector<1x128xi32>
    %swap3A_981 = vector.shape_cast %swap3A_980 : vector<1x128xi32> to vector<128xi32>
    %swap3A_982 = vector.shape_cast %slice3A_977 : vector<128xi32> to vector<1x128xi32>
    tpu.vector_store %arg3[%swap3A_978, %swap3A_979], %swap3A_982 {strides = array<i32>} : memref<16x128xi32, #tpu.memory_space<vmem>>, vector<1x128xi32>,
    %slice3A_983 = vector.extract_strided_slice %add3A_338 {offsets = [512], sizes = [128], strides = [1]} : vector<2048xi32> to vector<128xi32>
    %swap3A_984 = arith.constant 4 : index
    %swap3A_985 = arith.constant 0 : index
    %swap3A_986 = vector.load %arg3[%swap3A_984, %swap3A_985] : memref<16x128xi32, #tpu.memory_space<vmem>>, vector<1x128xi32>
    %swap3A_987 = vector.shape_cast %swap3A_986 : vector<1x128xi32> to vector<128xi32>
    %swap3A_988 = vector.shape_cast %slice3A_983 : vector<128xi32> to vector<1x128xi32>
    tpu.vector_store %arg3[%swap3A_984, %swap3A_985], %swap3A_988 {strides = array<i32>} : memref<16x128xi32, #tpu.memory_space<vmem>>, vector<1x128xi32>,
    %slice3A_989 = vector.extract_strided_slice %add3A_338 {offsets = [640], sizes = [128], strides = [1]} : vector<2048xi32> to vector<128xi32>
    %swap3A_990 = arith.constant 5 : index
    %swap3A_991 = arith.constant 0 : index
    %swap3A_992 = vector.load %arg3[%swap3A_990, %swap3A_991] : memref<16x128xi32, #tpu.memory_space<vmem>>, vector<1x128xi32>
    %swap3A_993 = vector.shape_cast %swap3A_992 : vector<1x128xi32> to vector<128xi32>
    %swap3A_994 = vector.shape_cast %slice3A_989 : vector<128xi32> to vector<1x128xi32>
    tpu.vector_store %arg3[%swap3A_990, %swap3A_991], %swap3A_994 {strides = array<i32>} : memref<16x128xi32, #tpu.memory_space<vmem>>, vector<1x128xi32>,
    %slice3A_995 = vector.extract_strided_slice %add3A_338 {offsets = [768], sizes = [128], strides = [1]} : vector<2048xi32> to vector<128xi32>
    %swap3A_996 = arith.constant 6 : index
    %swap3A_997 = arith.constant 0 : index
    %swap3A_998 = vector.load %arg3[%swap3A_996, %swap3A_997] : memref<16x128xi32, #tpu.memory_space<vmem>>, vector<1x128xi32>
    %swap3A_999 = vector.shape_cast %swap3A_998 : vector<1x128xi32> to vector<128xi32>
    %swap3A_1000 = vector.shape_cast %slice3A_995 : vector<128xi32> to vector<1x128xi32>
    tpu.vector_store %arg3[%swap3A_996, %swap3A_997], %swap3A_1000 {strides = array<i32>} : memref<16x128xi32, #tpu.memory_space<vmem>>, vector<1x128xi32>,
    %slice3A_1001 = vector.extract_strided_slice %add3A_338 {offsets = [896], sizes = [128], strides = [1]} : vector<2048xi32> to vector<128xi32>
    %swap3A_1002 = arith.constant 7 : index
    %swap3A_1003 = arith.constant 0 : index
    %swap3A_1004 = vector.load %arg3[%swap3A_1002, %swap3A_1003] : memref<16x128xi32, #tpu.memory_space<vmem>>, vector<1x128xi32>
    %swap3A_1005 = vector.shape_cast %swap3A_1004 : vector<1x128xi32> to vector<128xi32>
    %swap3A_1006 = vector.shape_cast %slice3A_1001 : vector<128xi32> to vector<1x128xi32>
    tpu.vector_store %arg3[%swap3A_1002, %swap3A_1003], %swap3A_1006 {strides = array<i32>} : memref<16x128xi32, #tpu.memory_space<vmem>>, vector<1x128xi32>,
    %slice3A_1007 = vector.extract_strided_slice %add3A_338 {offsets = [1024], sizes = [128], strides = [1]} : vector<2048xi32> to vector<128xi32>
    %swap3A_1008 = arith.constant 8 : index
    %swap3A_1009 = arith.constant 0 : index
    %swap3A_1010 = vector.load %arg3[%swap3A_1008, %swap3A_1009] : memref<16x128xi32, #tpu.memory_space<vmem>>, vector<1x128xi32>
    %swap3A_1011 = vector.shape_cast %swap3A_1010 : vector<1x128xi32> to vector<128xi32>
    %swap3A_1012 = vector.shape_cast %slice3A_1007 : vector<128xi32> to vector<1x128xi32>
    tpu.vector_store %arg3[%swap3A_1008, %swap3A_1009], %swap3A_1012 {strides = array<i32>} : memref<16x128xi32, #tpu.memory_space<vmem>>, vector<1x128xi32>,
    %slice3A_1013 = vector.extract_strided_slice %add3A_338 {offsets = [1152], sizes = [128], strides = [1]} : vector<2048xi32> to vector<128xi32>
    %swap3A_1014 = arith.constant 9 : index
    %swap3A_1015 = arith.constant 0 : index
    %swap3A_1016 = vector.load %arg3[%swap3A_1014, %swap3A_1015] : memref<16x128xi32, #tpu.memory_space<vmem>>, vector<1x128xi32>
    %swap3A_1017 = vector.shape_cast %swap3A_1016 : vector<1x128xi32> to vector<128xi32>
    %swap3A_1018 = vector.shape_cast %slice3A_1013 : vector<128xi32> to vector<1x128xi32>
    tpu.vector_store %arg3[%swap3A_1014, %swap3A_1015], %swap3A_1018 {strides = array<i32>} : memref<16x128xi32, #tpu.memory_space<vmem>>, vector<1x128xi32>,
    %slice3A_1019 = vector.extract_strided_slice %add3A_338 {offsets = [1280], sizes = [128], strides = [1]} : vector<2048xi32> to vector<128xi32>
    %swap3A_1020 = arith.constant 10 : index
    %swap3A_1021 = arith.constant 0 : index
    %swap3A_1022 = vector.load %arg3[%swap3A_1020, %swap3A_1021] : memref<16x128xi32, #tpu.memory_space<vmem>>, vector<1x128xi32>
    %swap3A_1023 = vector.shape_cast %swap3A_1022 : vector<1x128xi32> to vector<128xi32>
    %swap3A_1024 = vector.shape_cast %slice3A_1019 : vector<128xi32> to vector<1x128xi32>
    tpu.vector_store %arg3[%swap3A_1020, %swap3A_1021], %swap3A_1024 {strides = array<i32>} : memref<16x128xi32, #tpu.memory_space<vmem>>, vector<1x128xi32>,
    %slice3A_1025 = vector.extract_strided_slice %add3A_338 {offsets = [1408], sizes = [128], strides = [1]} : vector<2048xi32> to vector<128xi32>
    %swap3A_1026 = arith.constant 11 : index
    %swap3A_1027 = arith.constant 0 : index
    %swap3A_1028 = vector.load %arg3[%swap3A_1026, %swap3A_1027] : memref<16x128xi32, #tpu.memory_space<vmem>>, vector<1x128xi32>
    %swap3A_1029 = vector.shape_cast %swap3A_1028 : vector<1x128xi32> to vector<128xi32>
    %swap3A_1030 = vector.shape_cast %slice3A_1025 : vector<128xi32> to vector<1x128xi32>
    tpu.vector_store %arg3[%swap3A_1026, %swap3A_1027], %swap3A_1030 {strides = array<i32>} : memref<16x128xi32, #tpu.memory_space<vmem>>, vector<1x128xi32>,
    %slice3A_1031 = vector.extract_strided_slice %add3A_338 {offsets = [1536], sizes = [128], strides = [1]} : vector<2048xi32> to vector<128xi32>
    %swap3A_1032 = arith.constant 12 : index
    %swap3A_1033 = arith.constant 0 : index
    %swap3A_1034 = vector.load %arg3[%swap3A_1032, %swap3A_1033] : memref<16x128xi32, #tpu.memory_space<vmem>>, vector<1x128xi32>
    %swap3A_1035 = vector.shape_cast %swap3A_1034 : vector<1x128xi32> to vector<128xi32>
    %swap3A_1036 = vector.shape_cast %slice3A_1031 : vector<128xi32> to vector<1x128xi32>
    tpu.vector_store %arg3[%swap3A_1032, %swap3A_1033], %swap3A_1036 {strides = array<i32>} : memref<16x128xi32, #tpu.memory_space<vmem>>, vector<1x128xi32>,
    %slice3A_1037 = vector.extract_strided_slice %add3A_338 {offsets = [1664], sizes = [128], strides = [1]} : vector<2048xi32> to vector<128xi32>
    %swap3A_1038 = arith.constant 13 : index
    %swap3A_1039 = arith.constant 0 : index
    %swap3A_1040 = vector.load %arg3[%swap3A_1038, %swap3A_1039] : memref<16x128xi32, #tpu.memory_space<vmem>>, vector<1x128xi32>
    %swap3A_1041 = vector.shape_cast %swap3A_1040 : vector<1x128xi32> to vector<128xi32>
    %swap3A_1042 = vector.shape_cast %slice3A_1037 : vector<128xi32> to vector<1x128xi32>
    tpu.vector_store %arg3[%swap3A_1038, %swap3A_1039], %swap3A_1042 {strides = array<i32>} : memref<16x128xi32, #tpu.memory_space<vmem>>, vector<1x128xi32>,
    %slice3A_1043 = vector.extract_strided_slice %add3A_338 {offsets = [1792], sizes = [128], strides = [1]} : vector<2048xi32> to vector<128xi32>
    %swap3A_1044 = arith.constant 14 : index
    %swap3A_1045 = arith.constant 0 : index
    %swap3A_1046 = vector.load %arg3[%swap3A_1044, %swap3A_1045] : memref<16x128xi32, #tpu.memory_space<vmem>>, vector<1x128xi32>
    %swap3A_1047 = vector.shape_cast %swap3A_1046 : vector<1x128xi32> to vector<128xi32>
    %swap3A_1048 = vector.shape_cast %slice3A_1043 : vector<128xi32> to vector<1x128xi32>
    tpu.vector_store %arg3[%swap3A_1044, %swap3A_1045], %swap3A_1048 {strides = array<i32>} : memref<16x128xi32, #tpu.memory_space<vmem>>, vector<1x128xi32>,
    %slice3A_1049 = vector.extract_strided_slice %add3A_338 {offsets = [1920], sizes = [128], strides = [1]} : vector<2048xi32> to vector<128xi32>
    %swap3A_1050 = arith.constant 15 : index
    %swap3A_1051 = arith.constant 0 : index
    %swap3A_1052 = vector.load %arg3[%swap3A_1050, %swap3A_1051] : memref<16x128xi32, #tpu.memory_space<vmem>>, vector<1x128xi32>
    %swap3A_1053 = vector.shape_cast %swap3A_1052 : vector<1x128xi32> to vector<128xi32>
    %swap3A_1054 = vector.shape_cast %slice3A_1049 : vector<128xi32> to vector<1x128xi32>
    tpu.vector_store %arg3[%swap3A_1050, %swap3A_1051], %swap3A_1054 {strides = array<i32>} : memref<16x128xi32, #tpu.memory_space<vmem>>, vector<1x128xi32>,
    %iota3A_1055 = tpu.iota {dimensions = array<i32: 1>} : vector<1x128xi32>
    %iota3A_1056 = vector.shape_cast %iota3A_1055 : vector<1x128xi32> to vector<128xi32>
    %lt3A_1057 = arith.constant 32 : i32
    %lt3A_1058 = vector.broadcast %lt3A_1057 : i32 to vector<128xi32>
    %lt3A_1059 = arith.cmpi slt, %iota3A_1056, %lt3A_1058 : vector<128xi32>
    %broadcast_in_dim3A_1060 = arith.constant 0 : i32
    %broadcast_in_dim3A_1061 = vector.broadcast %broadcast_in_dim3A_1060 : i32 to vector<96xi32>
    %concatenate3A_1062 = tpu.concatenate %min3A_358, %broadcast_in_dim3A_1061 in 0 : vector<32xi32>, vector<96xi32> -> vector<128xi32>
    %jit3A_1063 = arith.constant 0 : i32
    %broadcast_in_dim3A_1064 = vector.broadcast %jit3A_1063 : i32 to vector<128xi32>
    %select_n3A_1065 = arith.select %lt3A_1059, %concatenate3A_1062, %broadcast_in_dim3A_1064 : vector<128xi1>, vector<128xi32>
    %swap3A_1066 = arith.constant 0 : index
    %swap3A_1067 = arith.constant 0 : index
    %swap3A_1068 = vector.load %arg6[%swap3A_1066, %swap3A_1067] : memref<1x128xi32, #tpu.memory_space<vmem>>, vector<1x128xi32>
    %swap3A_1069 = vector.shape_cast %swap3A_1068 : vector<1x128xi32> to vector<128xi32>
    %swap3A_1070 = vector.shape_cast %select_n3A_1065 : vector<128xi32> to vector<1x128xi32>
    tpu.vector_store %arg6[%swap3A_1066, %swap3A_1067], %swap3A_1070 {strides = array<i32>} : memref<1x128xi32, #tpu.memory_space<vmem>>, vector<1x128xi32>,
    %convert_element_type3A_1071 = arith.sitofp %add3A_280 : vector<128xi32> to vector<128xf32>
    %swap3A_1072 = arith.constant 0 : index
    %swap3A_1073 = arith.constant 0 : index
    %swap3A_1074 = vector.load %arg7[%swap3A_1072, %swap3A_1073] : memref<1x128xf32, #tpu.memory_space<vmem>>, vector<1x128xf32>
    %swap3A_1075 = vector.shape_cast %swap3A_1074 : vector<1x128xf32> to vector<128xf32>
    %swap3A_1076 = vector.shape_cast %convert_element_type3A_1071 : vector<128xf32> to vector<1x128xf32>
    tpu.vector_store %arg7[%swap3A_1072, %swap3A_1073], %swap3A_1076 {strides = array<i32>} : memref<1x128xf32, #tpu.memory_space<vmem>>, vector<1x128xf32>,
    %iota3A_1077 = tpu.iota {dimensions = array<i32: 1>} : vector<1x128xi32>
    %iota3A_1078 = vector.shape_cast %iota3A_1077 : vector<1x128xi32> to vector<128xi32>
    %convert_element_type3A_1079 = arith.sitofp %add3A_280 : vector<128xi32> to vector<128xf32>
    %div3A_1080 = arith.constant 2.048000e+03 : f32
    %div3A_1081 = vector.broadcast %div3A_1080 : f32 to vector<128xf32>
    %div3A_1082 = arith.divf %convert_element_type3A_1079, %div3A_1081 : vector<128xf32>
    %div3A_1083 = arith.constant 2.048000e+03 : f32
    %div3A_1084 = vector.broadcast %div3A_1083 : f32 to vector<128xf32>
    %div3A_1085 = arith.divf %reduce_sum3A_38, %div3A_1084 : vector<128xf32>
    %mul3A_1086 = arith.mulf %div3A_1085, %div3A_1082 : vector<128xf32>
    %reduce_sum3A_1087 = vector.shape_cast %mul3A_1086 : vector<128xf32> to vector<1x128xf32>
    %reduce_sum3A_1088 = arith.constant dense<0.000000e+00> : vector<1xf32>
    %reduce_sum3A_1089 = vector.multi_reduction <add>, %reduce_sum3A_1087, %reduce_sum3A_1088 [1] : vector<1x128xf32> to vector<1xf32>
    %reduce_sum3A_1090 = vector.shape_cast %reduce_sum3A_1089 : vector<1xf32> to vector<1x1xf32>
    %reduce_sum3A_1091 = vector.extract %reduce_sum3A_1090[0, 0] : f32 from vector<1x1xf32>
    %mul3A_1092 = arith.constant 1.600000e+01 : f32
    %mul3A_1093 = arith.mulf %mul3A_1092, %reduce_sum3A_1091 : f32
    %eq3A_1094 = arith.constant 0 : i32
    %eq3A_1095 = vector.broadcast %eq3A_1094 : i32 to vector<128xi32>
    %eq3A_1096 = arith.cmpi eq, %iota3A_1078, %eq3A_1095 : vector<128xi32>
    %jit3A_1097 = arith.constant 0.000000e+00 : f32
    %broadcast_in_dim3A_1098 = vector.broadcast %div3A_36 : f32 to vector<128xf32>
    %broadcast_in_dim3A_1099 = vector.broadcast %jit3A_1097 : f32 to vector<128xf32>
    %select_n3A_1100 = arith.select %eq3A_1096, %broadcast_in_dim3A_1098, %broadcast_in_dim3A_1099 : vector<128xi1>, vector<128xf32>
    %eq3A_1101 = arith.constant 1 : i32
    %eq3A_1102 = vector.broadcast %eq3A_1101 : i32 to vector<128xi32>
    %eq3A_1103 = arith.cmpi eq, %iota3A_1078, %eq3A_1102 : vector<128xi32>
    %jit3A_1104 = arith.constant 0.000000e+00 : f32
    %broadcast_in_dim3A_1105 = vector.broadcast %mul3A_1093 : f32 to vector<128xf32>
    %broadcast_in_dim3A_1106 = vector.broadcast %jit3A_1104 : f32 to vector<128xf32>
    %select_n3A_1107 = arith.select %eq3A_1103, %broadcast_in_dim3A_1105, %broadcast_in_dim3A_1106 : vector<128xi1>, vector<128xf32>
    %add3A_1108 = arith.addf %select_n3A_1100, %select_n3A_1107 : vector<128xf32>
    %swap3A_1109 = arith.constant 0 : index
    %swap3A_1110 = arith.constant 0 : index
    %swap3A_1111 = vector.load %arg8[%swap3A_1109, %swap3A_1110] : memref<1x128xf32, #tpu.memory_space<vmem>>, vector<1x128xf32>
    %swap3A_1112 = vector.shape_cast %swap3A_1111 : vector<1x128xf32> to vector<128xf32>
    %swap3A_1113 = vector.shape_cast %add3A_1108 : vector<128xf32> to vector<1x128xf32>
    tpu.vector_store %arg8[%swap3A_1109, %swap3A_1110], %swap3A_1113 {strides = array<i32>} : memref<1x128xf32, #tpu.memory_space<vmem>>, vector<1x128xf32>,
    return
  }
}

</mosaic_0001>

<sc_bundles>
// kernel: kernel.6.cloned.1.call-start
scs
__scs_entry_jumppad:
0x0: {  	(pc) =	sbr.rel $0x88, $3  }
0x1: {  	(tag) =	ssettag $0x0;
	lr =	simm.s32 $0x1  }
0x2: {  	[smem:$0x3F98] =	sst lr;
	_ =	strace $0xD0000000  }
0x3: {  	_ = 	snop  }
0x4: {  	_ = 	snop  }
0x5: {  	_ = 	snop  }
0x6: {  	_ = 	snop  }
0x7: {  	_ = 	snop  }
__scs_overlays_trampoline_lowered:
0x8: {  	[smem:$0x3FA7] =	sst s0  }
0x9: {  	[smem:$0x3FA8] =	sst s1  }
0xa: {  	[smem:$0x3FA9] =	sst s2  }
0xb: {  	[smem:$0x3FAA] =	sst s3  }
0xc: {  	[smem:$0x3FAB] =	sst s4  }
0xd: {  	[smem:$0x3FAC] =	sst s5  }
0xe: {  	[smem:$0x3FAD] =	sst s6  }
0xf: {  	[smem:$0x3FAE] =	sst s7  }
0x10: {  	[smem:$0x3FAF] =	sst s8  }
0x11: {  	[smem:$0x3FB0] =	sst s9;
	s0 =	simm.s32 @!p0 $0x0  }
0x12: {  	s1 =	sld [smem:$0x3F96];
	s0 =	simm.s32 @p0 $0x1  }
0x13: {  	[smem:$0x3FB1] =	sst s0;
	s0 =	simm.s32 @!p1 $0x0  }
0x14: {  	s2 =	sld [smem:$0x3F95];
	s0 =	simm.s32 @p1 $0x1  }
0x15: {  	[smem:$0x3FB2] =	sst s0;
	s0 =	simm.s32 @!p2 $0x0  }
0x16: {  	s3 =	sld [smem:$0x3FDB];
	s0 =	simm.s32 @p2 $0x1  }
0x17: {  	s4 =	simm.s32 $0x1BF5;
	[smem:$0x3FB4] =	sst s0  }
0x18: {  	s0 =	sld [smem:$0x3F97];
	_ =	swait.ge [sflag:s4], $0x0  }
0x19: {  	s7 =	sld [smem:$0x3F98]  }
0x1a: {  	s8 =	sadd.s32 $0xFFFFE003, lr  }
0x1b: {  	s9 =	sadd.s32 $0xFFFFFEF7, lr;
	s5 =	simm.s32 $0xFFFFFFFF;
	p2 =	slt.u32 s8, $0xFFFFF086  }
0x1c: {  	p1 =	slt.u32 s9, $0xF7A;
	s5 =	simm.s32 @!p2 $0x0  }
0x1d: {  	s5 =	simm.s32 @p1 $0x1;
	p0 =	seq.s32 s7, s2  }
0x1e: {  	s7 =	smul.u32 @!p0 $0xF7A, s2;
	p2 =	seq.s32 @!p0 s5, $0x0  }
0x1f: {  	s9 =	smul.u32 $0xF7A, s1;
	s8 =	simm.s32 @!p0 $0x1BF5;
	p2 =	por !p2, p0  }
0x20: {  	[sflag:s8] =	ssyncset.s32 @!p0 $0xFFFFF086;
	s6 =	sadd.s32 @!p0 s3, s7;
	s7 =	simm.s32 @!p0 $0x108  }
0x21: {  	s3 =	sadd.s32 s3, s9;
	s6 =	sadd.s32 @!p0 $0x88, s6;
	s7 =	simm.s32 @p2 $0x1082  }
0x22: {  	[simem:s7], [sflag:s8] =	dma.local @!p0 [hbm:s6], $0xF7A  }
0x23: {  	s9 =	sor.u32 $0xD0000000, s2;
	s6 =	simm.s32 $0x108;
	_ =	swait.ge @!p0 [sflag:s8], $0x0  }
0x24: {  	s3 =	sadd.s32 $0x88, s3;
	s6 =	simm.s32 @!p1 $0x1082;
	[sflag:s4] =	ssyncset.s32 $0xFFFFF086  }
0x25: {  	[simem:s6], [sflag:s4] =	dma.local [hbm:s3], $0xF7A  }
0x26: {  	[smem:$0x3F98] =	sst s1;
	(tag) =	ssettag s2;
	_ =	strace s9  }
0x27: {  	s1 =	sld [smem:$0x3FA8]  }
0x28: {  	s2 =	sld [smem:$0x3FA9]  }
0x29: {  	s4 =	sld [smem:$0x3FAB]  }
0x2a: {  	p0 =	seq.s32 s5, $0x0;
	s5 =	sld [smem:$0x3FAC]  }
0x2b: {  	s6 =	sld [smem:$0x3FAD]  }
0x2c: {  	s7 =	sld [smem:$0x3FAE]  }
0x2d: {  	s3 =	simm.s32 $0x108;
	s8 =	sld [smem:$0x3FAF]  }
0x2e: {  	s3 =	simm.s32 @!p0 $0x1082;
	s9 =	sld [smem:$0x3FB0]  }
0x2f: {  	lr =	sadd.s32 s0, s3;
	s0 =	sld [smem:$0x3FA7]  }
0x30: {  	s3 =	sld [smem:$0x3FAA]  }
0x31: {  	[smem:$0x3FB3] =	sst s10  }
0x32: {  	s10 =	sld [smem:$0x3FB1];
	_ =	sdelay $0x3  }
0x33: {  	p0 =	seq.s32 s10, $0x1;
	s10 =	sld [smem:$0x3FB3];
	_ =	sdelay $0x3  }
0x34: {  	[smem:$0x3FB3] =	sst s10  }
0x35: {  	s10 =	sld [smem:$0x3FB2];
	_ =	sdelay $0x3  }
0x36: {  	p1 =	seq.s32 s10, $0x1;
	s10 =	sld [smem:$0x3FB3];
	_ =	sdelay $0x3  }
0x37: {  	[smem:$0x3FB3] =	sst s10  }
0x38: {  	s10 =	sld [smem:$0x3FB4]  }
0x39: {  	_ = 	snop;
	(pc) =	sbr.ind lr, $3  }
0x3a: {  	_ = 	snop  }
0x3b: {  	_ = 	snop  }
0x3c: {  	p2 =	seq.s32 s10, $0x1;
	s10 =	sld [smem:$0x3FB3]  }
0x3d: {  	_ =	shalt  }
0x3e: {  	_ =	shalt  }
0x3f: {  	_ =	shalt  }
0x40: {  	_ =	shalt  }
0x41: {  	_ =	shalt  }
0x42: {  	_ =	shalt  }
0x43: {  	_ =	shalt  }
0x44: {  	_ =	shalt  }
0x45: {  	_ =	shalt  }
0x46: {  	_ =	shalt  }
0x47: {  	_ =	shalt  }
0x48: {  	_ =	shalt  }
0x49: {  	_ =	shalt  }
0x4a: {  	_ =	shalt  }
0x4b: {  	_ =	shalt  }
0x4c: {  	_ =	shalt  }
0x4d: {  	_ =	shalt  }
0x4e: {  	_ =	shalt  }
0x4f: {  	_ =	shalt  }
0x50: {  	_ =	shalt  }
0x51: {  	_ =	shalt  }
0x52: {  	_ =	shalt  }
0x53: {  	_ =	shalt  }
0x54: {  	_ =	shalt  }
0x55: {  	_ =	shalt  }
0x56: {  	_ =	shalt  }
0x57: {  	_ =	shalt  }
0x58: {  	_ =	shalt  }
0x59: {  	_ =	shalt  }
0x5a: {  	_ =	shalt  }
0x5b: {  	_ =	shalt  }
0x5c: {  	_ =	shalt  }
0x5d: {  	_ =	shalt  }
0x5e: {  	_ =	shalt  }
0x5f: {  	_ =	shalt  }
0x60: {  	_ =	shalt  }
0x61: {  	_ =	shalt  }
0x62: {  	_ =	shalt  }
0x63: {  	_ =	shalt  }
0x64: {  	_ =	shalt  }
0x65: {  	_ =	shalt  }
0x66: {  	_ =	shalt  }
0x67: {  	_ =	shalt  }
0x68: {  	_ =	shalt  }
0x69: {  	_ =	shalt  }
0x6a: {  	_ =	shalt  }
0x6b: {  	_ =	shalt  }
0x6c: {  	_ =	shalt  }
0x6d: {  	_ =	shalt  }
0x6e: {  	_ =	shalt  }
0x6f: {  	_ =	shalt  }
0x70: {  	_ =	shalt  }
0x71: {  	_ =	shalt  }
0x72: {  	_ =	shalt  }
0x73: {  	_ =	shalt  }
0x74: {  	_ =	shalt  }
0x75: {  	_ =	shalt  }
0x76: {  	_ =	shalt  }
0x77: {  	_ =	shalt  }
0x78: {  	_ =	shalt  }
0x79: {  	_ =	shalt  }
0x7a: {  	_ =	shalt  }
0x7b: {  	_ =	shalt  }
0x7c: {  	_ =	shalt  }
0x7d: {  	_ =	shalt  }
0x7e: {  	_ =	shalt  }
0x7f: {  	_ =	shalt  }
0x80: {  	_ =	shalt  }
0x81: {  	_ =	shalt  }
0x82: {  	_ =	shalt  }
0x83: {  	_ =	shalt  }
0x84: {  	_ =	shalt  }
0x85: {  	_ =	shalt  }
0x86: {  	_ =	shalt  }
0x87: {  	_ =	shalt  }
.Lfunc_end0:
.L_simem_size_0:
called_computation_lowered:
.L_overlay_start_0:
0x88: {  	s2 =	sld [smem:$0x3FD9]  }
0x89: {  	s3 =	sld [smem:$0x3FFE];
	_ =	sdelay $0x1  }
0x8a: {  	s1 =	srdreg.scid  }
0x8b: {  	s0 =	sand.u32 $0x1, s1  }
0x8c: {  	s17 =	sshll.u32 s0, $0xA;
	s2 =	sadd.s32 s3, s2  }
0x8d: {  	s2 =	sadd.s32 s2, s17  }
0x8e: {  	[smem:$0x3FBF] =	sst s2  }
0x8f: {  	_ = 	snop  }
0x90: {  	s2 =	sld [smem:$0x3FC9];
	(tm) =	ssettm $0x1  }
0x91: {  	s18 =	sld [smem:$0x3FFB];
	_ =	sdelay $0x3  }
0x92: {  	_ =	strace s18  }
0x93: {  	s3 =	sld [smem:$0x3FFC];
	_ =	sdelay $0x3  }
0x94: {  	_ =	strace s3  }
0x95: {  	s3 =	sld [smem:$0x3FFD];
	_ =	sdelay $0x3  }
0x96: {  	_ =	strace s3  }
0x97: {  	_ =	strace $0x8FFFFFFF  }
0x98: {  	s19 =	sld [smem:$0x3FDB];
	_ =	sdelay $0x1  }
0x99: {  	s4 =	simm.s32 $_scs_section_size  }
0x9a: {  	s5 =	simm.s32 $_size__tile_overlayer_lowered;
	s6 =	simm.s32 $_tile_overlayer_lowered  }
0x9b: {  	s22 =	simm.s32 $0x1BFF;
	s21 =	sshll.u32 s6, $0x1;
	s3 =	sadd.s32 s4, s19  }
0x9c: {  	s7 =	simm.s32 $0x0;
	s20 =	sshll.u32 s5, $0x1;
	s5 =	sadd.s32 s21, s3  }
0x9d: {  	[timem:s7], [sflag:s22] =	dma.local [hbm:s5], s20  }
0x9e: {  	_ =	swait.ge [sflag:s22], s20  }
0x9f: {  	s4 =	ssub.s32 $0x0, s20;
	[sflag:s22] =	ssyncset.done $0x0  }
0xa0: {  	[sflag:s22] =	ssyncadd.s32 s4;
	_ =	sdelay $0x1  }
0xa1: {  	s23 =	simm.s32 $0x1B8B  }
0xa2: {  	_ =	swait.ge [sflag:s23], $0x1  }
0xa3: {  	[sflag:s23] =	ssyncset.done $0x0  }
0xa4: {  	s25 =	simm.s32 $0x1B8E;
	s24 =	sld [smem:$0x3FFE];
	[sflag:s23] =	ssyncadd.s32 $0xFFFFFFFF  }
0xa5: {  	s26 =	simm.s32 $execute0_lowered;
	[smem:$0x3FD2] =	sst s25  }
0xa6: {  	s5 =	sshll.u32 s26, $0x1;
	_ =	strace $0x80000046;
	[dreg:$0x1] =	wrdreg $0xFFFFFFFF  }
0xa7: {  	s28 =	simm.s32 $_size_execute0_lowered;
	s3 =	sadd.s32 s3, s5;
	[dreg:$0x0] =	wrdreg $0x0  }
0xa8: {  	s5 =	sshll.u32 s28, $0x1;
	[dreg:$0x2] =	wrdreg s3  }
0xa9: {  	[dreg:$0x3] =	wrdreg s5  }
0xaa: {  	[dreg:$0x4] =	wrdreg $0xC0  }
0xab: {  	_ =	task [dreg:s7], $0x5FFFF  }
0xac: {  	[dreg:$0x1] =	wrdreg $0xFFFFFFFF  }
0xad: {  	[dreg:$0x0] =	wrdreg $0x60  }
0xae: {  	[dreg:$0x2] =	wrdreg s2  }
0xaf: {  	[dreg:$0x3] =	wrdreg s24  }
0xb0: {  	[dreg:$0x4] =	wrdreg $0x9  }
0xb1: {  	_ =	task.clear_ibuf [dreg:s7], $0x5FFFF;
	_ =	strace $0x90000046  }
0xb2: {  	s29 =	simm.s32 $0x9;
	_ =	strace $0x80000048  }
0xb3: {  	_ =	swait.ge [sflag:s29], $0x1  }
0xb4: {  	[sflag:s29] =	ssyncadd.s32 $0xFFFFFFFF  }
0xb5: {  	_ =	strace $0x90000048  }
0xb6: {  	_ =	sfence  }
0xb7: {  	s30 =	sld [smem:$0x0];
	_ =	sdelay $0x2  }
0xb8: {  	s31 =	sshll.u32 s1, $0xD;
	s1 =	sshrl.u32 s1, $0x2  }
0xb9: {  	s3 =	sand.u32 $0x4000, s31;
	s1 =	sadd.s32 s1, s30  }
0xba: {  	s0 =	sor.u32 s3, s0;
	s1 =	sshll.u32 s1, $0x11  }
0xbb: {  	s0 =	sor.u32 s1, s0  }
0xbc: {  	s0 =	sadd.s32 $0x8F2B, s0  }
0xbd: {  	[sflag:s0] =	ssyncadd.remote.s32 $0x1  }
0xbe: {  	_ =	sfence.sel $0xFFFF  }
0xbf: {  	[dreg:$0x0] =	wrdreg $0xFFFFFFFF;
	(pc) =	sbr.abs _section_cstart, $3  }
0xc0: {  	[dreg:$0x1] =	wrdreg $0xFFFFFFFF  }
0xc1: {  	_ =	task.clear_ibuf [dreg:s7], $0x2FFFF;
	_ =	strace $0x9FFFFFFF  }
0xc2: {  	(tm) =	ssettm $0x7FFFFFFF  }
0xc3: {  	_ =	shalt  }
tec
execute0_lowered:
.L_overlay_start_1:
0x0: {  	(tag) =	ssettag $0x1  }
0x1: {  	s2 =	rddreg [dreg:$0x0]  }
0x2: {  	s0 =	rddreg [dreg:$0x1]  }
0x3: {  	s1 =	srdreg.scid;
	s4 =	stileid.u32;
	s3 =	simm.s32 $0x0  }
0x4: {  	s18 =	simm.s32 $0x1;
	s20 =	simm.s32 $0x880;
	s21 =	simm.s32 $0x1080  }
0x5: {  	s22 =	simm.s32 $0x1880;
	s23 =	simm.s32 $0x2080;
	s24 =	simm.s32 $0x2880  }
0x6: {  	s28 =	simm.s32 $0x4080;
	s29 =	simm.s32 $0x4880;
	s30 =	simm.s32 $0x5080  }
0x7: {  	s31 =	simm.s32 $0x5880;
	s10 =	simm.s32 $0x7080;
	s11 =	simm.s32 $0x7880  }
0x8: {  	s12 =	simm.s32 $0x8080;
	s13 =	simm.s32 $0x8880;
	s14 =	simm.s32 $0x9080  }
0x9: {  	s15 =	simm.s32 $0x9880;
	s16 =	simm.s32 $0xA080;
	s17 =	simm.s32 $0xA880  }
0xa: {  	s1 =	sand.u32 $0x1, s1;
	s4 =	sshll.u32 s4, $0x8;
	[smem:$0x7FF] =	sst s3  }
0xb: {  	s6 =	sadd.s32 $0x1800, s0;
	s5 =	sshll.u32 s1, $0x7;
	s1 =	ssub.s32 $0x2, s1  }
0xc: {  	s0 =	sadd.s32 $0x1E00, s0;
	s5 =	sor.u32 s5, s4;
	s7 =	sshrl.u32 s1, $0x1  }
0xd: {  	_ =	strace $0x80000047;
	s4 =	sshrl.u32 s5, $0x3;
	s1 =	ssub.s32 s1, s7  }
0xe: {  	s25 =	sshll.u32 s5, $0x7;
	s8 =	sor.u32 $0x40, s5;
	s5 =	sadd.s32 $0x200, s2  }
0xf: {  	s4 =	sadd.s32 s6, s4;
	s7 =	sadd.s32 s0, s25;
	s9 =	sshrl.u32 s8, $0x3  }
0x10: {  	s8 =	sshll.u32 s8, $0x7;
	s25 =	simm.s32 $0x3080;
	[dreg:$0x3] =	wrdreg s4  }
0x11: {  	s4 =	sadd.s32 $0x100, s2;
	[dreg:$0x4] =	wrdreg s7;
	s26 =	sadd.s32 s6, s9  }
0x12: {  	v2 =	vlaneseq.u32;
	s6 =	sadd.s32 $0x300, s2;
	s0 =	sadd.s32 s0, s8;
	s7 =	smax.u32 s1, $0x1  }
0x13: {  	vm0 =	vmmov $0xffff;
	v1 =	vshrl.u32 v2, $0x3;
	s8 =	simm.s32 $0x2;
	s9 =	simm.s32 $0xB080;
	[dreg:$0x5] =	wrdreg s26  }
0x14: {  	v0 =	vand.u32 $0x7, v2;
	v2 =	vor.u32 $0x8, v2;
	v1 =	vmul.u32 $0x8, v1;
	[dreg:$0x6] =	wrdreg s0;
	s0 =	simm.s32 $0x80;
	s26 =	simm.s32 $0x3880  }
.LBB2_1:
0x15: {  	s19 =	rddreg [dreg:$0x3]  }
0x16: {  	[tilespmem:s3], [sflag:$0x2] =	stream.linear.gather [hbm4b:s19+s3], $0x40, $0x38;
	[tilespmem:$0x10080] =	vst v63  }
0x17: {  	_ =	swait.ge [sflag:s8], $0x40  }
0x18: {  	[sflag:s8] =	ssyncset.done $0x0  }
0x19: {  	[sflag:s8] =	ssyncadd.s32 $0xFFFFFFC0  }
0x1a: {  	v3 =	vld [tilespmem:$0x0];
	_ =	sdelay $0x4  }
0x1b: {  	v4 =	vshll.u32 v3, $0x3  }
0x1c: {  	v3 =	vand.u32 $0x7, v3;
	v4 =	vand.u32 $0xFFFFFFC0, v4  }
0x1d: {  	v3 =	vor.u32 v3, v4  }
0x1e: {  	v4 =	vperm.xlane v3, v0;
	_ =	sdelay $0x1  }
0x1f: {  	v4 =	vadd.s32 v1, v4;
	_ =	sdelay $0x4  }
0x20: {  	[tilespmem:s0], [sflag:$0x1] =	stream.indirect_vreg.gather [hbm4b:s2+s3], $0x80, v4, vm0, $0xb8;
	[tilespmem:$0x10080] =	vst v63  }
0x21: {  	v3 =	vperm.xlane v3, v2  }
0x22: {  	[tilespmem:s20], [sflag:$0x1] =	stream.indirect_vreg.gather [hbm4b:s4+s3], $0x80, v4, vm0, $0xb8;
	[tilespmem:$0x10080] =	vst v63  }
0x23: {  	v3 =	vadd.s32 v1, v3  }
0x24: {  	[tilespmem:s21], [sflag:$0x1] =	stream.indirect_vreg.gather [hbm4b:s5+s3], $0x80, v4, vm0, $0xb8;
	[tilespmem:$0x10080] =	vst v63  }
0x25: {  	_ = 	snop  }
0x26: {  	[tilespmem:s22], [sflag:$0x1] =	stream.indirect_vreg.gather [hbm4b:s6+s3], $0x80, v4, vm0, $0xb8;
	[tilespmem:$0x10080] =	vst v63  }
0x27: {  	_ = 	snop  }
0x28: {  	[tilespmem:s23], [sflag:$0x1] =	stream.indirect_vreg.gather [hbm4b:s2+s3], $0x80, v3, vm0, $0xb8;
	[tilespmem:$0x10080] =	vst v63  }
0x29: {  	_ = 	snop  }
0x2a: {  	[tilespmem:s24], [sflag:$0x1] =	stream.indirect_vreg.gather [hbm4b:s4+s3], $0x80, v3, vm0, $0xb8;
	[tilespmem:$0x10080] =	vst v63  }
0x2b: {  	_ = 	snop  }
0x2c: {  	[tilespmem:s25], [sflag:$0x1] =	stream.indirect_vreg.gather [hbm4b:s5+s3], $0x80, v3, vm0, $0xb8;
	[tilespmem:$0x10080] =	vst v63  }
0x2d: {  	_ = 	snop  }
0x2e: {  	[tilespmem:s26], [sflag:$0x1] =	stream.indirect_vreg.gather [hbm4b:s6+s3], $0x80, v3, vm0, $0xb8;
	[tilespmem:$0x10080] =	vst v63  }
0x2f: {  	v3 =	vld [tilespmem:$0x10];
	_ =	sdelay $0x4  }
0x30: {  	v57 =	vshll.u32 v3, $0x3  }
0x31: {  	v3 =	vand.u32 $0x7, v3;
	v4 =	vand.u32 $0xFFFFFFC0, v57  }
0x32: {  	v3 =	vor.u32 v3, v4  }
0x33: {  	v4 =	vperm.xlane v3, v0;
	_ =	sdelay $0x1  }
0x34: {  	v4 =	vadd.s32 v1, v4;
	_ =	sdelay $0x4  }
0x35: {  	[tilespmem:s28], [sflag:$0x1] =	stream.indirect_vreg.gather [hbm4b:s2+s3], $0x80, v4, vm0, $0xb8;
	[tilespmem:$0x10080] =	vst v63  }
0x36: {  	v3 =	vperm.xlane v3, v2  }
0x37: {  	[tilespmem:s29], [sflag:$0x1] =	stream.indirect_vreg.gather [hbm4b:s4+s3], $0x80, v4, vm0, $0xb8;
	[tilespmem:$0x10080] =	vst v63  }
0x38: {  	v3 =	vadd.s32 v1, v3  }
0x39: {  	[tilespmem:s30], [sflag:$0x1] =	stream.indirect_vreg.gather [hbm4b:s5+s3], $0x80, v4, vm0, $0xb8;
	[tilespmem:$0x10080] =	vst v63  }
0x3a: {  	_ = 	snop  }
0x3b: {  	[tilespmem:s31], [sflag:$0x1] =	stream.indirect_vreg.gather [hbm4b:s6+s3], $0x80, v4, vm0, $0xb8;
	[tilespmem:$0x10080] =	vst v63  }
0x3c: {  	s1 =	simm.s32 $0x6080  }
0x3d: {  	[tilespmem:s1], [sflag:$0x1] =	stream.indirect_vreg.gather [hbm4b:s2+s3], $0x80, v3, vm0, $0xb8;
	[tilespmem:$0x10080] =	vst v63  }
0x3e: {  	s1 =	simm.s32 $0x6880  }
0x3f: {  	[tilespmem:s1], [sflag:$0x1] =	stream.indirect_vreg.gather [hbm4b:s4+s3], $0x80, v3, vm0, $0xb8;
	[tilespmem:$0x10080] =	vst v63  }
0x40: {  	_ = 	snop  }
0x41: {  	[tilespmem:s10], [sflag:$0x1] =	stream.indirect_vreg.gather [hbm4b:s5+s3], $0x80, v3, vm0, $0xb8;
	[tilespmem:$0x10080] =	vst v63  }
0x42: {  	_ = 	snop  }
0x43: {  	[tilespmem:s11], [sflag:$0x1] =	stream.indirect_vreg.gather [hbm4b:s6+s3], $0x80, v3, vm0, $0xb8;
	[tilespmem:$0x10080] =	vst v63  }
0x44: {  	v3 =	vld [tilespmem:$0x20];
	_ =	sdelay $0x4  }
0x45: {  	v58 =	vshll.u32 v3, $0x3  }
0x46: {  	v3 =	vand.u32 $0x7, v3;
	v4 =	vand.u32 $0xFFFFFFC0, v58  }
0x47: {  	v3 =	vor.u32 v3, v4  }
0x48: {  	v4 =	vperm.xlane v3, v0;
	_ =	sdelay $0x1  }
0x49: {  	v4 =	vadd.s32 v1, v4;
	_ =	sdelay $0x4  }
0x4a: {  	[tilespmem:s12], [sflag:$0x1] =	stream.indirect_vreg.gather [hbm4b:s2+s3], $0x80, v4, vm0, $0xb8;
	[tilespmem:$0x10080] =	vst v63  }
0x4b: {  	v3 =	vperm.xlane v3, v2  }
0x4c: {  	[tilespmem:s13], [sflag:$0x1] =	stream.indirect_vreg.gather [hbm4b:s4+s3], $0x80, v4, vm0, $0xb8;
	[tilespmem:$0x10080] =	vst v63  }
0x4d: {  	v3 =	vadd.s32 v1, v3  }
0x4e: {  	[tilespmem:s14], [sflag:$0x1] =	stream.indirect_vreg.gather [hbm4b:s5+s3], $0x80, v4, vm0, $0xb8;
	[tilespmem:$0x10080] =	vst v63  }
0x4f: {  	_ = 	snop  }
0x50: {  	[tilespmem:s15], [sflag:$0x1] =	stream.indirect_vreg.gather [hbm4b:s6+s3], $0x80, v4, vm0, $0xb8;
	[tilespmem:$0x10080] =	vst v63  }
0x51: {  	_ = 	snop  }
0x52: {  	[tilespmem:s16], [sflag:$0x1] =	stream.indirect_vreg.gather [hbm4b:s2+s3], $0x80, v3, vm0, $0xb8;
	[tilespmem:$0x10080] =	vst v63  }
0x53: {  	_ = 	snop  }
0x54: {  	[tilespmem:s17], [sflag:$0x1] =	stream.indirect_vreg.gather [hbm4b:s4+s3], $0x80, v3, vm0, $0xb8;
	[tilespmem:$0x10080] =	vst v63  }
0x55: {  	_ = 	snop  }
0x56: {  	[tilespmem:s9], [sflag:$0x1] =	stream.indirect_vreg.gather [hbm4b:s5+s3], $0x80, v3, vm0, $0xb8;
	[tilespmem:$0x10080] =	vst v63  }
0x57: {  	s19 =	simm.s32 $0xB880  }
0x58: {  	[tilespmem:s19], [sflag:$0x1] =	stream.indirect_vreg.gather [hbm4b:s6+s3], $0x80, v3, vm0, $0xb8;
	[tilespmem:$0x10080] =	vst v63  }
0x59: {  	v3 =	vld [tilespmem:$0x30];
	_ =	sdelay $0x4  }
0x5a: {  	v59 =	vshll.u32 v3, $0x3  }
0x5b: {  	v3 =	vand.u32 $0x7, v3;
	v4 =	vand.u32 $0xFFFFFFC0, v59  }
0x5c: {  	v3 =	vor.u32 v3, v4  }
0x5d: {  	v4 =	vperm.xlane v3, v0;
	_ =	sdelay $0x1  }
0x5e: {  	v4 =	vadd.s32 v1, v4;
	_ =	sdelay $0x3  }
0x5f: {  	s19 =	simm.s32 $0xC080  }
0x60: {  	[tilespmem:s19], [sflag:$0x1] =	stream.indirect_vreg.gather [hbm4b:s2+s3], $0x80, v4, vm0, $0xb8;
	[tilespmem:$0x10080] =	vst v63  }
0x61: {  	v3 =	vperm.xlane v3, v2;
	s19 =	simm.s32 $0xC880  }
0x62: {  	[tilespmem:s19], [sflag:$0x1] =	stream.indirect_vreg.gather [hbm4b:s4+s3], $0x80, v4, vm0, $0xb8;
	[tilespmem:$0x10080] =	vst v63  }
0x63: {  	v3 =	vadd.s32 v1, v3;
	s19 =	simm.s32 $0xD080  }
0x64: {  	[tilespmem:s19], [sflag:$0x1] =	stream.indirect_vreg.gather [hbm4b:s5+s3], $0x80, v4, vm0, $0xb8;
	[tilespmem:$0x10080] =	vst v63  }
0x65: {  	s19 =	simm.s32 $0xD880  }
0x66: {  	[tilespmem:s19], [sflag:$0x1] =	stream.indirect_vreg.gather [hbm4b:s6+s3], $0x80, v4, vm0, $0xb8;
	[tilespmem:$0x10080] =	vst v63  }
0x67: {  	s19 =	simm.s32 $0xE080  }
0x68: {  	[tilespmem:s19], [sflag:$0x1] =	stream.indirect_vreg.gather [hbm4b:s2+s3], $0x80, v3, vm0, $0xb8;
	[tilespmem:$0x10080] =	vst v63  }
0x69: {  	s19 =	simm.s32 $0xE880  }
0x6a: {  	[tilespmem:s19], [sflag:$0x1] =	stream.indirect_vreg.gather [hbm4b:s4+s3], $0x80, v3, vm0, $0xb8;
	[tilespmem:$0x10080] =	vst v63  }
0x6b: {  	s19 =	simm.s32 $0xF080  }
0x6c: {  	[tilespmem:s19], [sflag:$0x1] =	stream.indirect_vreg.gather [hbm4b:s5+s3], $0x80, v3, vm0, $0xb8;
	[tilespmem:$0x10080] =	vst v63  }
0x6d: {  	s19 =	simm.s32 $0xF880  }
0x6e: {  	[tilespmem:s19], [sflag:$0x1] =	stream.indirect_vreg.gather [hbm4b:s6+s3], $0x80, v3, vm0, $0xb8;
	[tilespmem:$0x10080] =	vst v63  }
0x6f: {  	_ =	swait.ge [sflag:s18], $0x10000  }
0x70: {  	[sflag:s18] =	ssyncset.done $0x0  }
0x71: {  	s19 =	rddreg [dreg:$0x4];
	[sflag:s18] =	ssyncadd.s32 $0xFFFF0000  }
0x72: {  	[hbm4b:s19+s3] =	stream.linear.scatter [tilespmem:s0], [sflag:$0x2], $0x10000, $0x38;
	[tilespmem:$0x10080] =	vst v63  }
0x73: {  	_ =	swait.ge [sflag:s8], $0x10000  }
0x74: {  	[sflag:s8] =	ssyncset.done $0x0  }
0x75: {  	s19 =	rddreg [dreg:$0x5];
	[sflag:s8] =	ssyncadd.s32 $0xFFFF0000  }
0x76: {  	[tilespmem:s3], [sflag:$0x2] =	stream.linear.gather [hbm4b:s19+s3], $0x40, $0x38;
	[tilespmem:$0x10080] =	vst v63  }
0x77: {  	_ =	swait.ge [sflag:s8], $0x40  }
0x78: {  	[sflag:s8] =	ssyncset.done $0x0  }
0x79: {  	[sflag:s8] =	ssyncadd.s32 $0xFFFFFFC0  }
0x7a: {  	v3 =	vld [tilespmem:$0x0];
	_ =	sdelay $0x4  }
0x7b: {  	v60 =	vshll.u32 v3, $0x3  }
0x7c: {  	v3 =	vand.u32 $0x7, v3;
	v4 =	vand.u32 $0xFFFFFFC0, v60  }
0x7d: {  	v3 =	vor.u32 v3, v4  }
0x7e: {  	v4 =	vperm.xlane v3, v0;
	_ =	sdelay $0x1  }
0x7f: {  	v4 =	vadd.s32 v1, v4;
	_ =	sdelay $0x4  }
0x80: {  	[tilespmem:s0], [sflag:$0x1] =	stream.indirect_vreg.gather [hbm4b:s2+s3], $0x80, v4, vm0, $0xb8;
	[tilespmem:$0x10080] =	vst v63  }
0x81: {  	v3 =	vperm.xlane v3, v2  }
0x82: {  	[tilespmem:s20], [sflag:$0x1] =	stream.indirect_vreg.gather [hbm4b:s4+s3], $0x80, v4, vm0, $0xb8;
	[tilespmem:$0x10080] =	vst v63  }
0x83: {  	v3 =	vadd.s32 v1, v3  }
0x84: {  	[tilespmem:s21], [sflag:$0x1] =	stream.indirect_vreg.gather [hbm4b:s5+s3], $0x80, v4, vm0, $0xb8;
	[tilespmem:$0x10080] =	vst v63  }
0x85: {  	_ = 	snop  }
0x86: {  	[tilespmem:s22], [sflag:$0x1] =	stream.indirect_vreg.gather [hbm4b:s6+s3], $0x80, v4, vm0, $0xb8;
	[tilespmem:$0x10080] =	vst v63  }
0x87: {  	_ = 	snop  }
0x88: {  	[tilespmem:s23], [sflag:$0x1] =	stream.indirect_vreg.gather [hbm4b:s2+s3], $0x80, v3, vm0, $0xb8;
	[tilespmem:$0x10080] =	vst v63  }
0x89: {  	_ = 	snop  }
0x8a: {  	[tilespmem:s24], [sflag:$0x1] =	stream.indirect_vreg.gather [hbm4b:s4+s3], $0x80, v3, vm0, $0xb8;
	[tilespmem:$0x10080] =	vst v63  }
0x8b: {  	_ = 	snop  }
0x8c: {  	[tilespmem:s25], [sflag:$0x1] =	stream.indirect_vreg.gather [hbm4b:s5+s3], $0x80, v3, vm0, $0xb8;
	[tilespmem:$0x10080] =	vst v63  }
0x8d: {  	_ = 	snop  }
0x8e: {  	[tilespmem:s26], [sflag:$0x1] =	stream.indirect_vreg.gather [hbm4b:s6+s3], $0x80, v3, vm0, $0xb8;
	[tilespmem:$0x10080] =	vst v63  }
0x8f: {  	v3 =	vld [tilespmem:$0x10];
	_ =	sdelay $0x4  }
0x90: {  	v61 =	vshll.u32 v3, $0x3  }
0x91: {  	v3 =	vand.u32 $0x7, v3;
	v4 =	vand.u32 $0xFFFFFFC0, v61  }
0x92: {  	v3 =	vor.u32 v3, v4  }
0x93: {  	v4 =	vperm.xlane v3, v0;
	_ =	sdelay $0x1  }
0x94: {  	v4 =	vadd.s32 v1, v4;
	_ =	sdelay $0x4  }
0x95: {  	[tilespmem:s28], [sflag:$0x1] =	stream.indirect_vreg.gather [hbm4b:s2+s3], $0x80, v4, vm0, $0xb8;
	[tilespmem:$0x10080] =	vst v63  }
0x96: {  	v3 =	vperm.xlane v3, v2  }
0x97: {  	[tilespmem:s29], [sflag:$0x1] =	stream.indirect_vreg.gather [hbm4b:s4+s3], $0x80, v4, vm0, $0xb8;
	[tilespmem:$0x10080] =	vst v63  }
0x98: {  	v3 =	vadd.s32 v1, v3  }
0x99: {  	[tilespmem:s30], [sflag:$0x1] =	stream.indirect_vreg.gather [hbm4b:s5+s3], $0x80, v4, vm0, $0xb8;
	[tilespmem:$0x10080] =	vst v63  }
0x9a: {  	_ = 	snop  }
0x9b: {  	[tilespmem:s31], [sflag:$0x1] =	stream.indirect_vreg.gather [hbm4b:s6+s3], $0x80, v4, vm0, $0xb8;
	[tilespmem:$0x10080] =	vst v63  }
0x9c: {  	s19 =	simm.s32 $0x6080  }
0x9d: {  	[tilespmem:s19], [sflag:$0x1] =	stream.indirect_vreg.gather [hbm4b:s2+s3], $0x80, v3, vm0, $0xb8;
	[tilespmem:$0x10080] =	vst v63  }
0x9e: {  	_ = 	snop  }
0x9f: {  	[tilespmem:s1], [sflag:$0x1] =	stream.indirect_vreg.gather [hbm4b:s4+s3], $0x80, v3, vm0, $0xb8;
	[tilespmem:$0x10080] =	vst v63  }
0xa0: {  	_ = 	snop  }
0xa1: {  	[tilespmem:s10], [sflag:$0x1] =	stream.indirect_vreg.gather [hbm4b:s5+s3], $0x80, v3, vm0, $0xb8;
	[tilespmem:$0x10080] =	vst v63  }
0xa2: {  	_ = 	snop  }
0xa3: {  	[tilespmem:s11], [sflag:$0x1] =	stream.indirect_vreg.gather [hbm4b:s6+s3], $0x80, v3, vm0, $0xb8;
	[tilespmem:$0x10080] =	vst v63  }
0xa4: {  	v3 =	vld [tilespmem:$0x20];
	_ =	sdelay $0x4  }
0xa5: {  	v62 =	vshll.u32 v3, $0x3  }
0xa6: {  	v3 =	vand.u32 $0x7, v3;
	v4 =	vand.u32 $0xFFFFFFC0, v62  }
0xa7: {  	v3 =	vor.u32 v3, v4  }
0xa8: {  	v4 =	vperm.xlane v3, v0;
	_ =	sdelay $0x1  }
0xa9: {  	v4 =	vadd.s32 v1, v4;
	_ =	sdelay $0x4  }
0xaa: {  	[tilespmem:s12], [sflag:$0x1] =	stream.indirect_vreg.gather [hbm4b:s2+s3], $0x80, v4, vm0, $0xb8;
	[tilespmem:$0x10080] =	vst v63  }
0xab: {  	v3 =	vperm.xlane v3, v2  }
0xac: {  	[tilespmem:s13], [sflag:$0x1] =	stream.indirect_vreg.gather [hbm4b:s4+s3], $0x80, v4, vm0, $0xb8;
	[tilespmem:$0x10080] =	vst v63  }
0xad: {  	v3 =	vadd.s32 v1, v3  }
0xae: {  	[tilespmem:s14], [sflag:$0x1] =	stream.indirect_vreg.gather [hbm4b:s5+s3], $0x80, v4, vm0, $0xb8;
	[tilespmem:$0x10080] =	vst v63  }
0xaf: {  	_ = 	snop  }
0xb0: {  	[tilespmem:s15], [sflag:$0x1] =	stream.indirect_vreg.gather [hbm4b:s6+s3], $0x80, v4, vm0, $0xb8;
	[tilespmem:$0x10080] =	vst v63  }
0xb1: {  	_ = 	snop  }
0xb2: {  	[tilespmem:s16], [sflag:$0x1] =	stream.indirect_vreg.gather [hbm4b:s2+s3], $0x80, v3, vm0, $0xb8;
	[tilespmem:$0x10080] =	vst v63  }
0xb3: {  	_ = 	snop  }
0xb4: {  	[tilespmem:s17], [sflag:$0x1] =	stream.indirect_vreg.gather [hbm4b:s4+s3], $0x80, v3, vm0, $0xb8;
	[tilespmem:$0x10080] =	vst v63  }
0xb5: {  	_ = 	snop  }
0xb6: {  	[tilespmem:s9], [sflag:$0x1] =	stream.indirect_vreg.gather [hbm4b:s5+s3], $0x80, v3, vm0, $0xb8;
	[tilespmem:$0x10080] =	vst v63  }
0xb7: {  	s19 =	simm.s32 $0xB880  }
0xb8: {  	[tilespmem:s19], [sflag:$0x1] =	stream.indirect_vreg.gather [hbm4b:s6+s3], $0x80, v3, vm0, $0xb8;
	[tilespmem:$0x10080] =	vst v63  }
0xb9: {  	v3 =	vld [tilespmem:$0x30];
	_ =	sdelay $0x4  }
0xba: {  	v63 =	vshll.u32 v3, $0x3  }
0xbb: {  	v3 =	vand.u32 $0x7, v3;
	v4 =	vand.u32 $0xFFFFFFC0, v63  }
0xbc: {  	v3 =	vor.u32 v3, v4  }
0xbd: {  	v4 =	vperm.xlane v3, v0;
	_ =	sdelay $0x1  }
0xbe: {  	v4 =	vadd.s32 v1, v4;
	_ =	sdelay $0x3  }
0xbf: {  	s19 =	simm.s32 $0xC080  }
0xc0: {  	[tilespmem:s19], [sflag:$0x1] =	stream.indirect_vreg.gather [hbm4b:s2+s3], $0x80, v4, vm0, $0xb8;
	[tilespmem:$0x10080] =	vst v63  }
0xc1: {  	v3 =	vperm.xlane v3, v2;
	s19 =	simm.s32 $0xC880  }
0xc2: {  	[tilespmem:s19], [sflag:$0x1] =	stream.indirect_vreg.gather [hbm4b:s4+s3], $0x80, v4, vm0, $0xb8;
	[tilespmem:$0x10080] =	vst v63  }
0xc3: {  	v3 =	vadd.s32 v1, v3;
	s19 =	simm.s32 $0xD080  }
0xc4: {  	[tilespmem:s19], [sflag:$0x1] =	stream.indirect_vreg.gather [hbm4b:s5+s3], $0x80, v4, vm0, $0xb8;
	[tilespmem:$0x10080] =	vst v63  }
0xc5: {  	s19 =	simm.s32 $0xD880  }
0xc6: {  	[tilespmem:s19], [sflag:$0x1] =	stream.indirect_vreg.gather [hbm4b:s6+s3], $0x80, v4, vm0, $0xb8;
	[tilespmem:$0x10080] =	vst v63  }
0xc7: {  	s19 =	simm.s32 $0xE080  }
0xc8: {  	[tilespmem:s19], [sflag:$0x1] =	stream.indirect_vreg.gather [hbm4b:s2+s3], $0x80, v3, vm0, $0xb8;
	[tilespmem:$0x10080] =	vst v63  }
0xc9: {  	s19 =	simm.s32 $0xE880  }
0xca: {  	[tilespmem:s19], [sflag:$0x1] =	stream.indirect_vreg.gather [hbm4b:s4+s3], $0x80, v3, vm0, $0xb8;
	[tilespmem:$0x10080] =	vst v63  }
0xcb: {  	s19 =	simm.s32 $0xF080  }
0xcc: {  	[tilespmem:s19], [sflag:$0x1] =	stream.indirect_vreg.gather [hbm4b:s5+s3], $0x80, v3, vm0, $0xb8;
	[tilespmem:$0x10080] =	vst v63  }
0xcd: {  	s19 =	simm.s32 $0xF880  }
0xce: {  	[tilespmem:s19], [sflag:$0x1] =	stream.indirect_vreg.gather [hbm4b:s6+s3], $0x80, v3, vm0, $0xb8;
	[tilespmem:$0x10080] =	vst v63  }
0xcf: {  	_ =	swait.ge [sflag:s18], $0x10000  }
0xd0: {  	p0 =	sne.s32 s7, $0x1;
	[sflag:s18] =	ssyncset.done $0x0  }
.Ltmp0:
0xd1: {  	s1 =	rddreg [dreg:$0x6];
	[sflag:s18] =	ssyncadd.s32 $0xFFFF0000;
	(pc) =	sbr.rel @p0 .LBB2_1-.Ltmp0, $4  }
0xd2: {  	[hbm4b:s1+s3] =	stream.linear.scatter [tilespmem:s0], [sflag:$0x2], $0x10000, $0x38;
	[tilespmem:$0x10080] =	vst v63  }
0xd3: {  	_ =	swait.ge [sflag:s8], $0x10000  }
0xd4: {  	[sflag:s8] =	ssyncset.done $0x0  }
0xd5: {  	s7 =	sadd.s32 $0xFFFFFFFF, s7;
	[sflag:s8] =	ssyncadd.s32 $0xFFFF0000  }
0xd6: {  	_ =	sfence.sel $0x180000  }
0xd7: {  	[bflag:$0x0] =	sbarrier.arrive $0xFFFF  }
0xd8: {  	_ =	strace $0x90000047  }
0xd9: {  	s0 =	stileid.u32;
	[bflag:$0x2] =	sbarrier.arrive $0xFFFF  }
0xda: {  	p0 =	sne.s32 s0, $0x0;
	s0 =	rddreg [dreg:$0x2]  }
0xdb: {  	s0 =	sadd.s32 @!p0 $0x100000, s0  }
0xdc: {  	[sflag:s0] =	ssyncadd.tile.s32 @!p0 $0x1;
	_ =	shalt  }
.Lfunc_end2:
_tile_overlayer_lowered:
.L_overlay_start_2:
0xdd: {  	(tag) =	ssettag $0x2  }
0xde: {  	s0 =	rddreg [dreg:$0x0];
	s2 =	stileid.u32  }
0xdf: {  	s1 =	rddreg [dreg:$0x1];
	p0 =	sne.s32 s2, $0x0  }
0xe0: {  	s3 =	rddreg [dreg:$0x2];
	[bflag:$0x3] =	sbarrier.arrive $0xFFFF;
	s2 =	simm.s32 @!p0 $0x1C02  }
0xe1: {  	[timem:s3], [sflag:s2] =	dma.local @!p0 [hbm:s0], s1  }
0xe2: {  	s0 =	simm.s32 @!p0 $0x2  }
0xe3: {  	_ =	swait.ge @!p0 [sflag:s0], s1  }
0xe4: {  	s1 =	ssub.s32 @!p0 $0x0, s1;
	[sflag:s0] =	ssyncset.done @!p0 $0x0  }
0xe5: {  	[sflag:s0] =	ssyncadd.s32 @!p0 s1  }
0xe6: {  	[bflag:$0x3] =	sbarrier.arrive $0xFFFF  }
0xe7: {  	_ =	shalt  }

// kernel: kernel.9.cloned.1.call-start
scs
__scs_entry_jumppad:
0x0: {  	(pc) =	sbr.rel $0x88, $3  }
0x1: {  	(tag) =	ssettag $0x0;
	lr =	simm.s32 $0x1  }
0x2: {  	[smem:$0x3F98] =	sst lr;
	_ =	strace $0xD0000000  }
0x3: {  	_ = 	snop  }
0x4: {  	_ = 	snop  }
0x5: {  	_ = 	snop  }
0x6: {  	_ = 	snop  }
0x7: {  	_ = 	snop  }
__scs_overlays_trampoline_lowered:
0x8: {  	[smem:$0x3FA7] =	sst s0  }
0x9: {  	[smem:$0x3FA8] =	sst s1  }
0xa: {  	[smem:$0x3FA9] =	sst s2  }
0xb: {  	[smem:$0x3FAA] =	sst s3  }
0xc: {  	[smem:$0x3FAB] =	sst s4  }
0xd: {  	[smem:$0x3FAC] =	sst s5  }
0xe: {  	[smem:$0x3FAD] =	sst s6  }
0xf: {  	[smem:$0x3FAE] =	sst s7  }
0x10: {  	[smem:$0x3FAF] =	sst s8  }
0x11: {  	[smem:$0x3FB0] =	sst s9;
	s0 =	simm.s32 @!p0 $0x0  }
0x12: {  	s1 =	sld [smem:$0x3F96];
	s0 =	simm.s32 @p0 $0x1  }
0x13: {  	[smem:$0x3FB1] =	sst s0;
	s0 =	simm.s32 @!p1 $0x0  }
0x14: {  	s2 =	sld [smem:$0x3F95];
	s0 =	simm.s32 @p1 $0x1  }
0x15: {  	[smem:$0x3FB2] =	sst s0;
	s0 =	simm.s32 @!p2 $0x0  }
0x16: {  	s3 =	sld [smem:$0x3FDB];
	s0 =	simm.s32 @p2 $0x1  }
0x17: {  	s4 =	simm.s32 $0x1BF5;
	[smem:$0x3FB4] =	sst s0  }
0x18: {  	s0 =	sld [smem:$0x3F97];
	_ =	swait.ge [sflag:s4], $0x0  }
0x19: {  	s7 =	sld [smem:$0x3F98]  }
0x1a: {  	s8 =	sadd.s32 $0xFFFFE003, lr  }
0x1b: {  	s9 =	sadd.s32 $0xFFFFFEF7, lr;
	s5 =	simm.s32 $0xFFFFFFFF;
	p2 =	slt.u32 s8, $0xFFFFF086  }
0x1c: {  	p1 =	slt.u32 s9, $0xF7A;
	s5 =	simm.s32 @!p2 $0x0  }
0x1d: {  	s5 =	simm.s32 @p1 $0x1;
	p0 =	seq.s32 s7, s2  }
0x1e: {  	s7 =	smul.u32 @!p0 $0xF7A, s2;
	p2 =	seq.s32 @!p0 s5, $0x0  }
0x1f: {  	s9 =	smul.u32 $0xF7A, s1;
	s8 =	simm.s32 @!p0 $0x1BF5;
	p2 =	por !p2, p0  }
0x20: {  	[sflag:s8] =	ssyncset.s32 @!p0 $0xFFFFF086;
	s6 =	sadd.s32 @!p0 s3, s7;
	s7 =	simm.s32 @!p0 $0x108  }
0x21: {  	s3 =	sadd.s32 s3, s9;
	s6 =	sadd.s32 @!p0 $0x88, s6;
	s7 =	simm.s32 @p2 $0x1082  }
0x22: {  	[simem:s7], [sflag:s8] =	dma.local @!p0 [hbm:s6], $0xF7A  }
0x23: {  	s9 =	sor.u32 $0xD0000000, s2;
	s6 =	simm.s32 $0x108;
	_ =	swait.ge @!p0 [sflag:s8], $0x0  }
0x24: {  	s3 =	sadd.s32 $0x88, s3;
	s6 =	simm.s32 @!p1 $0x1082;
	[sflag:s4] =	ssyncset.s32 $0xFFFFF086  }
0x25: {  	[simem:s6], [sflag:s4] =	dma.local [hbm:s3], $0xF7A  }
0x26: {  	[smem:$0x3F98] =	sst s1;
	(tag) =	ssettag s2;
	_ =	strace s9  }
0x27: {  	s1 =	sld [smem:$0x3FA8]  }
0x28: {  	s2 =	sld [smem:$0x3FA9]  }
0x29: {  	s4 =	sld [smem:$0x3FAB]  }
0x2a: {  	p0 =	seq.s32 s5, $0x0;
	s5 =	sld [smem:$0x3FAC]  }
0x2b: {  	s6 =	sld [smem:$0x3FAD]  }
0x2c: {  	s7 =	sld [smem:$0x3FAE]  }
0x2d: {  	s3 =	simm.s32 $0x108;
	s8 =	sld [smem:$0x3FAF]  }
0x2e: {  	s3 =	simm.s32 @!p0 $0x1082;
	s9 =	sld [smem:$0x3FB0]  }
0x2f: {  	lr =	sadd.s32 s0, s3;
	s0 =	sld [smem:$0x3FA7]  }
0x30: {  	s3 =	sld [smem:$0x3FAA]  }
0x31: {  	[smem:$0x3FB3] =	sst s10  }
0x32: {  	s10 =	sld [smem:$0x3FB1];
	_ =	sdelay $0x3  }
0x33: {  	p0 =	seq.s32 s10, $0x1;
	s10 =	sld [smem:$0x3FB3];
	_ =	sdelay $0x3  }
0x34: {  	[smem:$0x3FB3] =	sst s10  }
0x35: {  	s10 =	sld [smem:$0x3FB2];
	_ =	sdelay $0x3  }
0x36: {  	p1 =	seq.s32 s10, $0x1;
	s10 =	sld [smem:$0x3FB3];
	_ =	sdelay $0x3  }
0x37: {  	[smem:$0x3FB3] =	sst s10  }
0x38: {  	s10 =	sld [smem:$0x3FB4]  }
0x39: {  	_ = 	snop;
	(pc) =	sbr.ind lr, $3  }
0x3a: {  	_ = 	snop  }
0x3b: {  	_ = 	snop  }
0x3c: {  	p2 =	seq.s32 s10, $0x1;
	s10 =	sld [smem:$0x3FB3]  }
0x3d: {  	_ =	shalt  }
0x3e: {  	_ =	shalt  }
0x3f: {  	_ =	shalt  }
0x40: {  	_ =	shalt  }
0x41: {  	_ =	shalt  }
0x42: {  	_ =	shalt  }
0x43: {  	_ =	shalt  }
0x44: {  	_ =	shalt  }
0x45: {  	_ =	shalt  }
0x46: {  	_ =	shalt  }
0x47: {  	_ =	shalt  }
0x48: {  	_ =	shalt  }
0x49: {  	_ =	shalt  }
0x4a: {  	_ =	shalt  }
0x4b: {  	_ =	shalt  }
0x4c: {  	_ =	shalt  }
0x4d: {  	_ =	shalt  }
0x4e: {  	_ =	shalt  }
0x4f: {  	_ =	shalt  }
0x50: {  	_ =	shalt  }
0x51: {  	_ =	shalt  }
0x52: {  	_ =	shalt  }
0x53: {  	_ =	shalt  }
0x54: {  	_ =	shalt  }
0x55: {  	_ =	shalt  }
0x56: {  	_ =	shalt  }
0x57: {  	_ =	shalt  }
0x58: {  	_ =	shalt  }
0x59: {  	_ =	shalt  }
0x5a: {  	_ =	shalt  }
0x5b: {  	_ =	shalt  }
0x5c: {  	_ =	shalt  }
0x5d: {  	_ =	shalt  }
0x5e: {  	_ =	shalt  }
0x5f: {  	_ =	shalt  }
0x60: {  	_ =	shalt  }
0x61: {  	_ =	shalt  }
0x62: {  	_ =	shalt  }
0x63: {  	_ =	shalt  }
0x64: {  	_ =	shalt  }
0x65: {  	_ =	shalt  }
0x66: {  	_ =	shalt  }
0x67: {  	_ =	shalt  }
0x68: {  	_ =	shalt  }
0x69: {  	_ =	shalt  }
0x6a: {  	_ =	shalt  }
0x6b: {  	_ =	shalt  }
0x6c: {  	_ =	shalt  }
0x6d: {  	_ =	shalt  }
0x6e: {  	_ =	shalt  }
0x6f: {  	_ =	shalt  }
0x70: {  	_ =	shalt  }
0x71: {  	_ =	shalt  }
0x72: {  	_ =	shalt  }
0x73: {  	_ =	shalt  }
0x74: {  	_ =	shalt  }
0x75: {  	_ =	shalt  }
0x76: {  	_ =	shalt  }
0x77: {  	_ =	shalt  }
0x78: {  	_ =	shalt  }
0x79: {  	_ =	shalt  }
0x7a: {  	_ =	shalt  }
0x7b: {  	_ =	shalt  }
0x7c: {  	_ =	shalt  }
0x7d: {  	_ =	shalt  }
0x7e: {  	_ =	shalt  }
0x7f: {  	_ =	shalt  }
0x80: {  	_ =	shalt  }
0x81: {  	_ =	shalt  }
0x82: {  	_ =	shalt  }
0x83: {  	_ =	shalt  }
0x84: {  	_ =	shalt  }
0x85: {  	_ =	shalt  }
0x86: {  	_ =	shalt  }
0x87: {  	_ =	shalt  }
.Lfunc_end0:
.L_simem_size_0:
called_computation.1_lowered:
.L_overlay_start_0:
0x88: {  	s2 =	sld [smem:$0x3FD9]  }
0x89: {  	s3 =	sld [smem:$0x3FFE];
	_ =	sdelay $0x1  }
0x8a: {  	s1 =	srdreg.scid  }
0x8b: {  	s0 =	sand.u32 $0x1, s1  }
0x8c: {  	s14 =	sshll.u32 s0, $0xA;
	s2 =	sadd.s32 s3, s2  }
0x8d: {  	s2 =	sadd.s32 s2, s14  }
0x8e: {  	[smem:$0x3FBF] =	sst s2  }
0x8f: {  	_ = 	snop  }
0x90: {  	s2 =	sld [smem:$0x3FD0];
	_ =	sdelay $0x2  }
0x91: {  	s15 =	simm.s32 $0xA;
	s4 =	simm.s32 $0x10  }
0x92: {  	[smem:s4], [sflag:s15] =	dma.local [hbm:s2], $0x1  }
0x93: {  	_ =	swait.eq [sflag:s15], $0x1  }
0x94: {  	[sflag:s15] =	ssyncset.done $0x0  }
0x95: {  	[sflag:s15] =	ssyncadd.s32 $0xFFFFFFFF  }
0x96: {  	s16 =	sld [smem:$0x10];
	(tm) =	ssettm $0x1  }
0x97: {  	s17 =	sld [smem:$0x3FFB];
	_ =	sdelay $0x3  }
0x98: {  	_ =	strace s17  }
0x99: {  	s3 =	sld [smem:$0x3FFC];
	_ =	sdelay $0x3  }
0x9a: {  	_ =	strace s3  }
0x9b: {  	s3 =	sld [smem:$0x3FFD];
	_ =	sdelay $0x3  }
0x9c: {  	_ =	strace s3  }
0x9d: {  	_ =	strace $0x8FFFFFFF  }
0x9e: {  	s18 =	sld [smem:$0x3FDB];
	_ =	sdelay $0x1  }
0x9f: {  	s19 =	simm.s32 $_scs_section_size  }
0xa0: {  	s5 =	simm.s32 $_size__tile_overlayer_lowered;
	s6 =	simm.s32 $_tile_overlayer_lowered  }
0xa1: {  	s22 =	simm.s32 $0x1BFF;
	s21 =	sshll.u32 s6, $0x1;
	s3 =	sadd.s32 s19, s18  }
0xa2: {  	s7 =	simm.s32 $0x0;
	s20 =	sshll.u32 s5, $0x1;
	s5 =	sadd.s32 s21, s3  }
0xa3: {  	[timem:s7], [sflag:s22] =	dma.local [hbm:s5], s20  }
0xa4: {  	_ =	swait.ge [sflag:s22], s20  }
0xa5: {  	s4 =	ssub.s32 $0x0, s20;
	[sflag:s22] =	ssyncset.done $0x0  }
0xa6: {  	[sflag:s22] =	ssyncadd.s32 s4;
	_ =	sdelay $0x1  }
0xa7: {  	s23 =	simm.s32 $0x1B8B  }
0xa8: {  	_ =	swait.ge [sflag:s23], $0x1  }
0xa9: {  	[sflag:s23] =	ssyncset.done $0x0  }
0xaa: {  	s25 =	simm.s32 $0x1B8E;
	s24 =	sld [smem:$0x3FFE];
	[sflag:s23] =	ssyncadd.s32 $0xFFFFFFFF  }
0xab: {  	s26 =	simm.s32 $execute0_lowered;
	[smem:$0x3FD2] =	sst s25  }
0xac: {  	s5 =	sshll.u32 s26, $0x1;
	_ =	strace $0x80000049;
	[dreg:$0x1] =	wrdreg $0xFFFFFFFF  }
0xad: {  	s28 =	simm.s32 $_size_execute0_lowered;
	s3 =	sadd.s32 s3, s5;
	[dreg:$0x0] =	wrdreg $0x0  }
0xae: {  	s5 =	sshll.u32 s28, $0x1;
	[dreg:$0x2] =	wrdreg s3  }
0xaf: {  	[dreg:$0x3] =	wrdreg s5  }
0xb0: {  	[dreg:$0x4] =	wrdreg $0xC0  }
0xb1: {  	_ =	task [dreg:s7], $0x5FFFF  }
0xb2: {  	[dreg:$0x1] =	wrdreg $0xFFFFFFFF  }
0xb3: {  	[dreg:$0x0] =	wrdreg $0x60  }
0xb4: {  	[dreg:$0x2] =	wrdreg s24  }
0xb5: {  	[dreg:$0x3] =	wrdreg s16  }
0xb6: {  	[dreg:$0x4] =	wrdreg $0x9  }
0xb7: {  	_ =	task.clear_ibuf [dreg:s7], $0x5FFFF;
	_ =	strace $0x90000049  }
0xb8: {  	s29 =	simm.s32 $0x9;
	_ =	strace $0x8000004B  }
0xb9: {  	_ =	swait.ge [sflag:s29], $0x1  }
0xba: {  	[sflag:s29] =	ssyncadd.s32 $0xFFFFFFFF  }
0xbb: {  	_ =	strace $0x9000004B  }
0xbc: {  	_ =	sfence  }
0xbd: {  	s30 =	sld [smem:$0x0];
	_ =	sdelay $0x2  }
0xbe: {  	s31 =	sshll.u32 s1, $0xD;
	s1 =	sshrl.u32 s1, $0x2  }
0xbf: {  	s3 =	sand.u32 $0x4000, s31;
	s1 =	sadd.s32 s1, s30  }
0xc0: {  	s0 =	sor.u32 s3, s0;
	s1 =	sshll.u32 s1, $0x11  }
0xc1: {  	s0 =	sor.u32 s1, s0  }
0xc2: {  	s0 =	sadd.s32 $0x8F2B, s0  }
0xc3: {  	[sflag:s0] =	ssyncadd.remote.s32 $0x1  }
0xc4: {  	_ =	sfence.sel $0xFFFF  }
0xc5: {  	[dreg:$0x0] =	wrdreg $0xFFFFFFFF;
	(pc) =	sbr.abs _section_cstart, $3  }
0xc6: {  	[dreg:$0x1] =	wrdreg $0xFFFFFFFF  }
0xc7: {  	_ =	task.clear_ibuf [dreg:s7], $0x2FFFF;
	_ =	strace $0x9FFFFFFF  }
0xc8: {  	(tm) =	ssettm $0x7FFFFFFF  }
0xc9: {  	_ =	shalt  }
tec
execute0_lowered:
.L_overlay_start_1:
0x0: {  	(tag) =	ssettag $0x1  }
0x1: {  	s1 =	srdreg.scid  }
0x2: {  	s0 =	stileid.u32;
	s6 =	rddreg [dreg:$0x0]  }
0x3: {  	s4 =	rddreg [dreg:$0x1];
	s18 =	simm.s32 $0x880;
	s19 =	simm.s32 $0x1080  }
0x4: {  	s20 =	simm.s32 $0x1880;
	s22 =	simm.s32 $0x2080;
	s23 =	simm.s32 $0x2880  }
0x5: {  	s7 =	simm.s32 $0x3080;
	s24 =	simm.s32 $0x3880;
	s8 =	simm.s32 $0x4080  }
0x6: {  	s25 =	simm.s32 $0x4880;
	s26 =	simm.s32 $0x5080;
	s1 =	sand.u32 $0x1, s1  }
0x7: {  	s9 =	simm.s32 $0x80;
	s2 =	sshll.u32 s0, $0x7;
	s3 =	sshll.u32 s1, $0x6  }
0x8: {  	s11 =	simm.s32 $0x6080;
	s3 =	sor.u32 s3, s2;
	s2 =	simm.s32 $0x0  }
0x9: {  	s12 =	simm.s32 $0x6880;
	s13 =	simm.s32 $0x7080;
	[smem:$0x7FF] =	sst s2  }
0xa: {  	s14 =	simm.s32 $0x7880;
	_ =	strace $0x8000004A;
	[dreg:$0x5] =	wrdreg s18  }
0xb: {  	s15 =	simm.s32 $0x8080;
	s16 =	simm.s32 $0x8880;
	[dreg:$0x6] =	wrdreg s19  }
0xc: {  	s17 =	simm.s32 $0x9080;
	s28 =	simm.s32 $0xE080;
	[dreg:$0x7] =	wrdreg s20  }
0xd: {  	s29 =	simm.s32 $0xE880;
	s30 =	simm.s32 $0xF080;
	[dreg:$0x8] =	wrdreg s22  }
0xe: {  	s31 =	simm.s32 $0xF880;
	s1 =	ssub.s32 $0x2, s1;
	[dreg:$0x9] =	wrdreg s23  }
0xf: {  	s21 =	sshrl.u32 s1, $0x1;
	s5 =	sshrl.u32 s3, $0x3;
	[dreg:$0xa] =	wrdreg s7  }
0x10: {  	s3 =	sshll.u32 s3, $0x7;
	s1 =	ssub.s32 s1, s21;
	[dreg:$0xb] =	wrdreg s24  }
0x11: {  	s21 =	simm.s32 $0xB080;
	s5 =	sadd.s32 s5, s6;
	[dreg:$0xc] =	wrdreg s8  }
0x12: {  	s3 =	sadd.s32 s4, s3;
	s4 =	sadd.s32 $0x83700, s6;
	[dreg:$0xd] =	wrdreg s25  }
0x13: {  	s7 =	smax.u32 s1, $0x1;
	s8 =	simm.s32 $0x2;
	[dreg:$0xe] =	wrdreg s26  }
0x14: {  	s18 =	simm.s32 $0x9880;
	s19 =	simm.s32 $0xA080;
	s20 =	simm.s32 $0xA880  }
0x15: {  	s22 =	simm.s32 $0xB880;
	s23 =	simm.s32 $0xC080;
	s24 =	simm.s32 $0xC880  }
0x16: {  	v2 =	vlaneseq.u32;
	s25 =	simm.s32 $0xD080;
	s26 =	simm.s32 $0xD880;
	s1 =	simm.s32 $0x1  }
0x17: {  	vm0 =	vmmov $0xffff;
	v1 =	vshrl.u32 v2, $0x3;
	s5 =	sadd.s32 $0x1C00, s5;
	[dreg:$0x4] =	wrdreg s3;
	s3 =	sadd.s32 $0x83600, s6  }
0x18: {  	v0 =	vand.u32 $0x7, v2;
	v2 =	vor.u32 $0x8, v2;
	v1 =	vmul.u32 $0x8, v1;
	[dreg:$0x3] =	wrdreg s5;
	s5 =	sadd.s32 $0x83800, s6;
	s6 =	sadd.s32 $0x83900, s6  }
.LBB2_1:
0x19: {  	s0 =	rddreg [dreg:$0x3]  }
0x1a: {  	[tilespmem:s2], [sflag:$0x2] =	stream.linear.gather [hbm4b:s0+s2], $0x40, $0x38;
	[tilespmem:$0x10080] =	vst v63  }
0x1b: {  	_ =	swait.ge [sflag:s8], $0x40  }
0x1c: {  	[sflag:s8] =	ssyncset.done $0x0  }
0x1d: {  	[sflag:s8] =	ssyncadd.s32 $0xFFFFFFC0  }
0x1e: {  	v3 =	vld [tilespmem:$0x0];
	_ =	sdelay $0x4  }
0x1f: {  	v4 =	vshll.u32 v3, $0x3  }
0x20: {  	v3 =	vand.u32 $0x7, v3;
	v4 =	vand.u32 $0xFFFFFFC0, v4  }
0x21: {  	v3 =	vor.u32 v3, v4  }
0x22: {  	v4 =	vperm.xlane v3, v0;
	_ =	sdelay $0x1  }
0x23: {  	v4 =	vadd.s32 v1, v4;
	_ =	sdelay $0x4  }
0x24: {  	[tilespmem:s9], [sflag:$0x1] =	stream.indirect_vreg.gather [hbm4b:s3+s2], $0x80, v4, vm0, $0xb8;
	[tilespmem:$0x10080] =	vst v63  }
0x25: {  	s0 =	rddreg [dreg:$0x5];
	v3 =	vperm.xlane v3, v2  }
0x26: {  	[tilespmem:s0], [sflag:$0x1] =	stream.indirect_vreg.gather [hbm4b:s4+s2], $0x80, v4, vm0, $0xb8;
	[tilespmem:$0x10080] =	vst v63  }
0x27: {  	s10 =	rddreg [dreg:$0x6];
	v3 =	vadd.s32 v1, v3  }
0x28: {  	[tilespmem:s10], [sflag:$0x1] =	stream.indirect_vreg.gather [hbm4b:s5+s2], $0x80, v4, vm0, $0xb8;
	[tilespmem:$0x10080] =	vst v63  }
0x29: {  	s0 =	rddreg [dreg:$0x7]  }
0x2a: {  	[tilespmem:s0], [sflag:$0x1] =	stream.indirect_vreg.gather [hbm4b:s6+s2], $0x80, v4, vm0, $0xb8;
	[tilespmem:$0x10080] =	vst v63  }
0x2b: {  	s10 =	rddreg [dreg:$0x8]  }
0x2c: {  	[tilespmem:s10], [sflag:$0x1] =	stream.indirect_vreg.gather [hbm4b:s3+s2], $0x80, v3, vm0, $0xb8;
	[tilespmem:$0x10080] =	vst v63  }
0x2d: {  	s0 =	rddreg [dreg:$0x9]  }
0x2e: {  	[tilespmem:s0], [sflag:$0x1] =	stream.indirect_vreg.gather [hbm4b:s4+s2], $0x80, v3, vm0, $0xb8;
	[tilespmem:$0x10080] =	vst v63  }
0x2f: {  	s10 =	rddreg [dreg:$0xa]  }
0x30: {  	[tilespmem:s10], [sflag:$0x1] =	stream.indirect_vreg.gather [hbm4b:s5+s2], $0x80, v3, vm0, $0xb8;
	[tilespmem:$0x10080] =	vst v63  }
0x31: {  	s0 =	rddreg [dreg:$0xb]  }
0x32: {  	[tilespmem:s0], [sflag:$0x1] =	stream.indirect_vreg.gather [hbm4b:s6+s2], $0x80, v3, vm0, $0xb8;
	[tilespmem:$0x10080] =	vst v63  }
0x33: {  	v3 =	vld [tilespmem:$0x10];
	_ =	sdelay $0x4  }
0x34: {  	v61 =	vshll.u32 v3, $0x3  }
0x35: {  	v3 =	vand.u32 $0x7, v3;
	v4 =	vand.u32 $0xFFFFFFC0, v61  }
0x36: {  	v3 =	vor.u32 v3, v4  }
0x37: {  	v4 =	vperm.xlane v3, v0;
	_ =	sdelay $0x1  }
0x38: {  	v4 =	vadd.s32 v1, v4;
	_ =	sdelay $0x3  }
0x39: {  	s0 =	rddreg [dreg:$0xc]  }
0x3a: {  	[tilespmem:s0], [sflag:$0x1] =	stream.indirect_vreg.gather [hbm4b:s3+s2], $0x80, v4, vm0, $0xb8;
	[tilespmem:$0x10080] =	vst v63  }
0x3b: {  	s10 =	rddreg [dreg:$0xd];
	v3 =	vperm.xlane v3, v2  }
0x3c: {  	[tilespmem:s10], [sflag:$0x1] =	stream.indirect_vreg.gather [hbm4b:s4+s2], $0x80, v4, vm0, $0xb8;
	[tilespmem:$0x10080] =	vst v63  }
0x3d: {  	v3 =	vadd.s32 v1, v3;
	s0 =	rddreg [dreg:$0xe]  }
0x3e: {  	[tilespmem:s0], [sflag:$0x1] =	stream.indirect_vreg.gather [hbm4b:s5+s2], $0x80, v4, vm0, $0xb8;
	[tilespmem:$0x10080] =	vst v63  }
0x3f: {  	s10 =	simm.s32 $0x5880  }
0x40: {  	[tilespmem:s10], [sflag:$0x1] =	stream.indirect_vreg.gather [hbm4b:s6+s2], $0x80, v4, vm0, $0xb8;
	[tilespmem:$0x10080] =	vst v63  }
0x41: {  	_ = 	snop  }
0x42: {  	[tilespmem:s11], [sflag:$0x1] =	stream.indirect_vreg.gather [hbm4b:s3+s2], $0x80, v3, vm0, $0xb8;
	[tilespmem:$0x10080] =	vst v63  }
0x43: {  	_ = 	snop  }
0x44: {  	[tilespmem:s12], [sflag:$0x1] =	stream.indirect_vreg.gather [hbm4b:s4+s2], $0x80, v3, vm0, $0xb8;
	[tilespmem:$0x10080] =	vst v63  }
0x45: {  	_ = 	snop  }
0x46: {  	[tilespmem:s13], [sflag:$0x1] =	stream.indirect_vreg.gather [hbm4b:s5+s2], $0x80, v3, vm0, $0xb8;
	[tilespmem:$0x10080] =	vst v63  }
0x47: {  	_ = 	snop  }
0x48: {  	[tilespmem:s14], [sflag:$0x1] =	stream.indirect_vreg.gather [hbm4b:s6+s2], $0x80, v3, vm0, $0xb8;
	[tilespmem:$0x10080] =	vst v63  }
0x49: {  	v3 =	vld [tilespmem:$0x20];
	_ =	sdelay $0x4  }
0x4a: {  	v62 =	vshll.u32 v3, $0x3  }
0x4b: {  	v3 =	vand.u32 $0x7, v3;
	v4 =	vand.u32 $0xFFFFFFC0, v62  }
0x4c: {  	v3 =	vor.u32 v3, v4  }
0x4d: {  	v4 =	vperm.xlane v3, v0;
	_ =	sdelay $0x1  }
0x4e: {  	v4 =	vadd.s32 v1, v4;
	_ =	sdelay $0x4  }
0x4f: {  	[tilespmem:s15], [sflag:$0x1] =	stream.indirect_vreg.gather [hbm4b:s3+s2], $0x80, v4, vm0, $0xb8;
	[tilespmem:$0x10080] =	vst v63  }
0x50: {  	v3 =	vperm.xlane v3, v2  }
0x51: {  	[tilespmem:s16], [sflag:$0x1] =	stream.indirect_vreg.gather [hbm4b:s4+s2], $0x80, v4, vm0, $0xb8;
	[tilespmem:$0x10080] =	vst v63  }
0x52: {  	v3 =	vadd.s32 v1, v3  }
0x53: {  	[tilespmem:s17], [sflag:$0x1] =	stream.indirect_vreg.gather [hbm4b:s5+s2], $0x80, v4, vm0, $0xb8;
	[tilespmem:$0x10080] =	vst v63  }
0x54: {  	_ = 	snop  }
0x55: {  	[tilespmem:s18], [sflag:$0x1] =	stream.indirect_vreg.gather [hbm4b:s6+s2], $0x80, v4, vm0, $0xb8;
	[tilespmem:$0x10080] =	vst v63  }
0x56: {  	_ = 	snop  }
0x57: {  	[tilespmem:s19], [sflag:$0x1] =	stream.indirect_vreg.gather [hbm4b:s3+s2], $0x80, v3, vm0, $0xb8;
	[tilespmem:$0x10080] =	vst v63  }
0x58: {  	_ = 	snop  }
0x59: {  	[tilespmem:s20], [sflag:$0x1] =	stream.indirect_vreg.gather [hbm4b:s4+s2], $0x80, v3, vm0, $0xb8;
	[tilespmem:$0x10080] =	vst v63  }
0x5a: {  	_ = 	snop  }
0x5b: {  	[tilespmem:s21], [sflag:$0x1] =	stream.indirect_vreg.gather [hbm4b:s5+s2], $0x80, v3, vm0, $0xb8;
	[tilespmem:$0x10080] =	vst v63  }
0x5c: {  	_ = 	snop  }
0x5d: {  	[tilespmem:s22], [sflag:$0x1] =	stream.indirect_vreg.gather [hbm4b:s6+s2], $0x80, v3, vm0, $0xb8;
	[tilespmem:$0x10080] =	vst v63  }
0x5e: {  	v3 =	vld [tilespmem:$0x30];
	_ =	sdelay $0x4  }
0x5f: {  	v63 =	vshll.u32 v3, $0x3  }
0x60: {  	v3 =	vand.u32 $0x7, v3;
	v4 =	vand.u32 $0xFFFFFFC0, v63  }
0x61: {  	v3 =	vor.u32 v3, v4  }
0x62: {  	v4 =	vperm.xlane v3, v0;
	_ =	sdelay $0x1  }
0x63: {  	v4 =	vadd.s32 v1, v4;
	_ =	sdelay $0x4  }
0x64: {  	[tilespmem:s23], [sflag:$0x1] =	stream.indirect_vreg.gather [hbm4b:s3+s2], $0x80, v4, vm0, $0xb8;
	[tilespmem:$0x10080] =	vst v63  }
0x65: {  	v3 =	vperm.xlane v3, v2  }
0x66: {  	[tilespmem:s24], [sflag:$0x1] =	stream.indirect_vreg.gather [hbm4b:s4+s2], $0x80, v4, vm0, $0xb8;
	[tilespmem:$0x10080] =	vst v63  }
0x67: {  	v3 =	vadd.s32 v1, v3  }
0x68: {  	[tilespmem:s25], [sflag:$0x1] =	stream.indirect_vreg.gather [hbm4b:s5+s2], $0x80, v4, vm0, $0xb8;
	[tilespmem:$0x10080] =	vst v63  }
0x69: {  	_ = 	snop  }
0x6a: {  	[tilespmem:s26], [sflag:$0x1] =	stream.indirect_vreg.gather [hbm4b:s6+s2], $0x80, v4, vm0, $0xb8;
	[tilespmem:$0x10080] =	vst v63  }
0x6b: {  	_ = 	snop  }
0x6c: {  	[tilespmem:s28], [sflag:$0x1] =	stream.indirect_vreg.gather [hbm4b:s3+s2], $0x80, v3, vm0, $0xb8;
	[tilespmem:$0x10080] =	vst v63  }
0x6d: {  	_ = 	snop  }
0x6e: {  	[tilespmem:s29], [sflag:$0x1] =	stream.indirect_vreg.gather [hbm4b:s4+s2], $0x80, v3, vm0, $0xb8;
	[tilespmem:$0x10080] =	vst v63  }
0x6f: {  	_ = 	snop  }
0x70: {  	[tilespmem:s30], [sflag:$0x1] =	stream.indirect_vreg.gather [hbm4b:s5+s2], $0x80, v3, vm0, $0xb8;
	[tilespmem:$0x10080] =	vst v63  }
0x71: {  	_ = 	snop  }
0x72: {  	[tilespmem:s31], [sflag:$0x1] =	stream.indirect_vreg.gather [hbm4b:s6+s2], $0x80, v3, vm0, $0xb8;
	[tilespmem:$0x10080] =	vst v63  }
0x73: {  	_ =	swait.ge [sflag:s1], $0x10000  }
0x74: {  	p0 =	sne.s32 s7, $0x1;
	[sflag:s1] =	ssyncset.done $0x0  }
.Ltmp0:
0x75: {  	s10 =	rddreg [dreg:$0x4];
	[sflag:s1] =	ssyncadd.s32 $0xFFFF0000;
	(pc) =	sbr.rel @p0 .LBB2_1-.Ltmp0, $4  }
0x76: {  	[hbm4b:s10+s2] =	stream.linear.scatter [tilespmem:s9], [sflag:$0x2], $0x10000, $0x38;
	[tilespmem:$0x10080] =	vst v63  }
0x77: {  	_ =	swait.ge [sflag:s8], $0x10000  }
0x78: {  	[sflag:s8] =	ssyncset.done $0x0  }
0x79: {  	s7 =	sadd.s32 $0xFFFFFFFF, s7;
	[sflag:s8] =	ssyncadd.s32 $0xFFFF0000  }
0x7a: {  	_ =	sfence.sel $0x180000  }
0x7b: {  	[bflag:$0x0] =	sbarrier.arrive $0xFFFF  }
0x7c: {  	_ =	strace $0x9000004A  }
0x7d: {  	s0 =	stileid.u32;
	[bflag:$0x2] =	sbarrier.arrive $0xFFFF  }
0x7e: {  	p0 =	sne.s32 s0, $0x0;
	s0 =	rddreg [dreg:$0x2]  }
0x7f: {  	s0 =	sadd.s32 @!p0 $0x100000, s0  }
0x80: {  	[sflag:s0] =	ssyncadd.tile.s32 @!p0 $0x1;
	_ =	shalt  }
.Lfunc_end2:
_tile_overlayer_lowered:
.L_overlay_start_2:
0x81: {  	(tag) =	ssettag $0x2  }
0x82: {  	s0 =	rddreg [dreg:$0x0];
	s2 =	stileid.u32  }
0x83: {  	s1 =	rddreg [dreg:$0x1];
	p0 =	sne.s32 s2, $0x0  }
0x84: {  	s3 =	rddreg [dreg:$0x2];
	[bflag:$0x3] =	sbarrier.arrive $0xFFFF;
	s2 =	simm.s32 @!p0 $0x1C02  }
0x85: {  	[timem:s3], [sflag:s2] =	dma.local @!p0 [hbm:s0], s1  }
0x86: {  	s0 =	simm.s32 @!p0 $0x2  }
0x87: {  	_ =	swait.ge @!p0 [sflag:s0], s1  }
0x88: {  	s1 =	ssub.s32 @!p0 $0x0, s1;
	[sflag:s0] =	ssyncset.done @!p0 $0x0  }
0x89: {  	[sflag:s0] =	ssyncadd.s32 @!p0 s1  }
0x8a: {  	[bflag:$0x3] =	sbarrier.arrive $0xFFFF  }
0x8b: {  	_ =	shalt  }

</sc_bundles>
